<compile_context>
chip_gen: v7x
topology: tpu7x:2x2x1
jax: 0.10.2.dev20260603
libtpu: 0.0.44.dev20260713+nightly
codegen_flags: <defaults>
</compile_context>

<pallas_src>
import functools

import jax
import jax.numpy as jnp
from jax import lax
from jax.experimental import pallas as pl
from jax.experimental.pallas import tpu as pltpu
from jax.experimental.pallas import tpu_sc as plsc

_N, _D, _H, _C = 10000, 128, 64, 40
_E = 320000
_NPAD = 10240
_CPAD = 48
_NSC, _NTILE = 2, 16
_NW = _NSC * _NTILE
_CHUNK = 128
_NCH = 80
_EPAD = _NW * _CHUNK * _NCH
_RPT = _NPAD // _NTILE


def _sc_mesh():
    return plsc.VectorSubcoreMesh(core_axis_name="c", subcore_axis_name="s")


@functools.partial(
    pl.kernel,
    mesh=_sc_mesh(),
    compiler_params=pltpu.CompilerParams(needs_layout_passes=False),
    out_type=jax.ShapeDtypeStruct((_NW, _NPAD // 16, 16), jnp.float32),
    scratch_types=[
        pltpu.VMEM((_NCH * _CHUNK,), jnp.int32),
        pltpu.VMEM((_NPAD // 16, 16), jnp.float32),
    ],
)
def _deg_sc(dst_flat_hbm, out_hbm, idx_v, deg_v):
    c = lax.axis_index("c")
    s = lax.axis_index("s")
    w = c * _NTILE + s
    pltpu.sync_copy(dst_flat_hbm.at[w], idx_v)
    zeros16 = jnp.zeros((16,), jnp.float32)

    def zbody(i, carry):
        deg_v[i, :] = zeros16
        return carry

    lax.fori_loop(0, _NPAD // 16, zbody, 0)
    ones16 = jnp.ones((16,), jnp.float32)

    def cbody(t, carry):
        for u in range(4):
            idx = idx_v[pl.ds((t * 4 + u) * 16, 16)]
            plsc.addupdate_scatter(deg_v, [idx >> 4, idx & 15], ones16)
        return carry

    lax.fori_loop(0, _NCH * _CHUNK // 64, cbody, 0)
    pltpu.sync_copy(deg_v, out_hbm.at[w])


def _make_prop(feat):
    @functools.partial(
        pl.kernel,
        mesh=_sc_mesh(),
        compiler_params=pltpu.CompilerParams(
            needs_layout_passes=False, use_tc_tiling_on_sc=False),
        out_type=jax.ShapeDtypeStruct((_NSC, _NPAD, feat), jnp.float32),
        scratch_types=[
            pltpu.VMEM((_NCH, _CHUNK), jnp.int32),
            pltpu.VMEM((_NCH, _CHUNK), jnp.int32),
            pltpu.VMEM((_CHUNK, feat), jnp.float32),
            pltpu.VMEM((_CHUNK, feat), jnp.float32),
            pltpu.VMEM_SHARED((_NPAD, feat), jnp.float32),
            pltpu.VMEM_SHARED((_NPAD, feat), jnp.float32),
            pltpu.SemaphoreType.DMA,
            pltpu.SemaphoreType.DMA,
        ],
    )
    def _prop(table_hbm, src_hbm, dst_hbm, zero_hbm, out_hbm,
              src_v, dst_v, buf_a, buf_b, table_s, agg_s, sem_a, sem_b):
        c = lax.axis_index("c")
        s = lax.axis_index("s")
        w = c * _NTILE + s
        rows = pl.ds(s * _RPT, _RPT)
        pltpu.sync_copy(zero_hbm.at[rows], agg_s.at[rows])
        pltpu.sync_copy(table_hbm.at[rows], table_s.at[rows])
        pltpu.sync_copy(src_hbm.at[w], src_v)
        pltpu.sync_copy(dst_hbm.at[w], dst_v)
        plsc.subcore_barrier()

        pltpu.async_copy(table_s.at[src_v.at[0]], buf_a, sem_a)

        bufs = (buf_a, buf_b)
        sems = (sem_a, sem_b)

        def body(i, carry):
            j = 4 * i
            for u in range(4):
                jb = j + u
                b = u % 2
                nxt = jb + 1 if u < 3 else jnp.minimum(jb + 1, _NCH - 1)
                pltpu.async_copy(table_s.at[src_v.at[nxt]], bufs[1 - b],
                                 sems[1 - b])
                pltpu.make_async_copy(table_s.at[src_v.at[jb]], bufs[b],
                                      sems[b]).wait()
                pltpu.sync_copy(bufs[b], agg_s.at[dst_v.at[jb]], add=True)
            return carry

        lax.fori_loop(0, _NCH // 4, body, 0)
        pltpu.make_async_copy(table_s.at[src_v.at[0]], buf_a, sem_a).wait()
        plsc.subcore_barrier()
        pltpu.sync_copy(agg_s.at[rows], out_hbm.at[c, rows])

    return _prop


_prop_h = _make_prop(_H)
_prop_c = _make_prop(_CPAD)


def _tc1_body(x_ref, w1_ref, degp_ref, hs1_ref, dinv_ref):
    ones = jnp.ones((_NW, 1), jnp.float32)
    deg = lax.dot_general(degp_ref[...], ones, (((0,), (0,)), ((), ())),
                          preferred_element_type=jnp.float32) + 1.0
    dinv = lax.rsqrt(deg)
    h = jnp.dot(x_ref[...], w1_ref[...], preferred_element_type=jnp.float32)
    hs1_ref[...] = h * dinv
    dinv_ref[...] = dinv


_tc1 = pl.pallas_call(
    _tc1_body,
    out_shape=[
        jax.ShapeDtypeStruct((_NPAD, _H), jnp.float32),
        jax.ShapeDtypeStruct((_NPAD, 1), jnp.float32),
    ],
)


def _tc2_body(aggp_ref, hs1_ref, dinv_ref, b1_ref, w2_ref, hs2_ref):
    dinv = dinv_ref[...]
    agg = aggp_ref[0] + aggp_ref[1] + hs1_ref[...]
    out1 = agg * dinv + b1_ref[...][None, :]
    rowid = lax.broadcasted_iota(jnp.int32, (_NPAD, 1), 0)
    m = (rowid < _N).astype(jnp.float32)
    inv_n = jnp.float32(1.0 / _N)
    mean = jnp.sum(out1 * m, axis=0, keepdims=True) * inv_n
    cx = out1 - mean
    var = jnp.sum(cx * cx * m, axis=0, keepdims=True) * inv_n
    bn = cx * lax.rsqrt(var + 1e-5)
    r = jnp.maximum(bn, 0.0)
    hs2_ref[...] = jnp.dot(r, w2_ref[...],
                           preferred_element_type=jnp.float32) * dinv


_tc2 = pl.pallas_call(
    _tc2_body,
    out_shape=jax.ShapeDtypeStruct((_NPAD, _CPAD), jnp.float32),
)


def _tc3_body(aggp_ref, hs2_ref, dinv_ref, b2_ref, out_ref):
    agg = aggp_ref[0] + aggp_ref[1] + hs2_ref[...]
    out_ref[...] = agg * dinv_ref[...] + b2_ref[...][None, :]


_tc3 = pl.pallas_call(
    _tc3_body,
    out_shape=jax.ShapeDtypeStruct((_NPAD, _CPAD), jnp.float32),
)


def kernel(x, edge_index, W1, b1, W2, b2):
    src = edge_index[0]
    dst = edge_index[1]
    pad = jnp.full((_EPAD - _E,), _N, dtype=jnp.int32)
    src_p = jnp.concatenate([src, pad]).reshape(_NW, _NCH, _CHUNK)
    dst_p = jnp.concatenate([dst, pad]).reshape(_NW, _NCH, _CHUNK)
    dst_flat = dst_p.reshape(_NW, _NCH * _CHUNK)

    x_p = jnp.zeros((_NPAD, _D), jnp.float32).at[:_N].set(x)
    w2_p = jnp.zeros((_H, _CPAD), jnp.float32).at[:, :_C].set(W2)
    b2_p = jnp.zeros((_CPAD,), jnp.float32).at[:_C].set(b2)
    z_h = jnp.zeros((_NPAD, _H), jnp.float32)
    z_c = jnp.zeros((_NPAD, _CPAD), jnp.float32)

    degp = _deg_sc(dst_flat).reshape(_NW, _NPAD)
    hs1, dinv = _tc1(x_p, W1, degp)
    aggp1 = _prop_h(hs1, src_p, dst_p, z_h)
    hs2 = _tc2(aggp1, hs1, dinv, b1, w2_p)
    aggp2 = _prop_c(hs2, src_p, dst_p, z_c)
    logits = _tc3(aggp2, hs2, dinv, b2_p)
    return logits[:_N, :_C]

# --- scband reference (transcript-rebuilt; emitter-appended) ---
"""Pipeline reference for scband-ours-49555332662179 (READ-ONLY COPY).

The authoritative reference and input builder live on the scoring server;
editing this copy changes nothing except your own understanding.
"""

import jax, jax.numpy as jnp
import numpy as np

N = 10000
D = 128
H = 64
C = 40
E = 320000


def setup_inputs(seed: int = 0) -> dict:
    key = jax.random.key(seed)
    k1, k2, k3, k4, k5, k6 = jax.random.split(key, 6)
    x = jax.random.normal(k1, (N, D), dtype=jnp.float32)
    edge_index = jax.random.randint(k2, (2, E), 0, N, dtype=jnp.int32)
    W1 = jax.random.normal(k3, (D, H), dtype=jnp.float32) * (1.0 / np.sqrt(D))
    b1 = jnp.zeros((H,), dtype=jnp.float32)
    W2 = jax.random.normal(k4, (H, C), dtype=jnp.float32) * (1.0 / np.sqrt(H))
    b2 = jnp.zeros((C,), dtype=jnp.float32)
    return {"x": x, "edge_index": edge_index, "W1": W1, "b1": b1, "W2": W2, "b2": b2}


def _gcn_layer(x, W, b, src, dst, n):
    # GCNConv: linear transform, then symmetric-normalized aggregation with self-loops already in (src, dst)
    h = x @ W
    ones = jnp.ones(src.shape[0], dtype=h.dtype)
    deg = jnp.zeros((n,), dtype=h.dtype).at[dst].add(ones)
    deg_inv_sqrt = 1.0 / jnp.sqrt(jnp.clip(deg, 1.0, None))
    norm = deg_inv_sqrt[src] * deg_inv_sqrt[dst]
    msgs = h[src] * norm[:, None]
    out = jnp.zeros((n, h.shape[1]), dtype=h.dtype).at[dst].add(msgs)
    return out + b


def _batchnorm(x, eps=1e-5):
    mean = jnp.mean(x, axis=0)
    var = jnp.var(x, axis=0)
    return (x - mean) / jnp.sqrt(var + eps)


def reference(x, edge_index, W1, b1, W2, b2):
    src = edge_index[0]
    dst = edge_index[1]
    loop = jnp.arange(N, dtype=src.dtype)
    src = jnp.concatenate([src, loop])
    dst = jnp.concatenate([dst, loop])
    h = _gcn_layer(x, W1, b1, src, dst, N)
    h = _batchnorm(h)
    h = jax.nn.relu(h)
    # dropout is identity at inference
    logits = _gcn_layer(h, W2, b2, src, dst, N)
    return logits

if __name__ == "__main__":
    import jax
    _d = setup_inputs()
    print(jax.jit(kernel)(*tuple(_d.values())))

</pallas_src>

<mosaic_0001>
#map = affine_map<(d0, d1) -> (0, 0)>
#map1 = affine_map<(d0, d1) -> (0, 0, 0)>
module attributes {stable_mosaic.version = 14 : i64} {
  func.func @_deg_sc(%arg0: i32, %arg1: i32, %arg2: memref<32x10240xi32, #tpu.memory_space<hbm>>, %arg3: memref<32x640x16xf32, #tpu.memory_space<hbm>>, %arg4: memref<10240xi32, #tpu.memory_space<vmem>>, %arg5: memref<640x16xf32, #tpu.memory_space<vmem>>) attributes {dimension_semantics = [#tpu.dimension_semantics<core_parallel>, #tpu.dimension_semantics<subcore_parallel>], iteration_bounds = array<i64: 2, 16>, scalar_prefetch = 0 : i64, scratch_operands = 2 : i64, tpu.core_type = #tpu.core_type<sc_vector_subcore>, window_params = [{transform_indices = #map}, {transform_indices = #map1}]} {
    %mul3A = arith.constant 16 : i32
    %mul3A_0 = arith.muli %arg0, %mul3A : i32
    %add3A = arith.addi %mul3A_0, %arg1 : i32
    "tpu.region"() ({
      %run_scoped3A = tpu.sem_alloc : memref<!tpu.dma_semaphore, #tpu.memory_space<semaphore_mem>>
      %dma_start3A = arith.constant 0 : i32
      %dma_start3A_15 = tpu.memref_slice %arg2[%add3A, %dma_start3A] : memref<32x10240xi32, #tpu.memory_space<hbm>> -> memref<1x10240xi32, #tpu.memory_space<hbm>>
      %dma_start3A_16 = tpu.memref_squeeze %dma_start3A_15 : memref<1x10240xi32, #tpu.memory_space<hbm>> -> memref<10240xi32, #tpu.memory_space<hbm>>
      %dma_start3A_17 = arith.constant 0 : i32
      %dma_start3A_18 = tpu.memref_slice %arg2[%add3A, %dma_start3A_17] : memref<32x10240xi32, #tpu.memory_space<hbm>> -> memref<1x10240xi32, #tpu.memory_space<hbm>>
      %dma_start3A_19 = tpu.memref_squeeze %dma_start3A_18 : memref<1x10240xi32, #tpu.memory_space<hbm>> -> memref<10240xi32, #tpu.memory_space<hbm>>
      tpu.enqueue_dma source(%dma_start3A_19 : memref<10240xi32, #tpu.memory_space<hbm>>) target(%arg4 : memref<10240xi32, #tpu.memory_space<vmem>>) target_semaphore(%run_scoped3A : memref<!tpu.dma_semaphore, #tpu.memory_space<semaphore_mem>>)
      %dma_wait3A = arith.constant 0 : i32
      %dma_wait3A_20 = tpu.memref_slice %arg2[%add3A, %dma_wait3A] : memref<32x10240xi32, #tpu.memory_space<hbm>> -> memref<1x10240xi32, #tpu.memory_space<hbm>>
      %dma_wait3A_21 = tpu.memref_squeeze %dma_wait3A_20 : memref<1x10240xi32, #tpu.memory_space<hbm>> -> memref<10240xi32, #tpu.memory_space<hbm>>
      %dma_wait3A_22 = arith.constant 0 : i32
      %dma_wait3A_23 = tpu.memref_slice %arg2[%add3A, %dma_wait3A_22] : memref<32x10240xi32, #tpu.memory_space<hbm>> -> memref<1x10240xi32, #tpu.memory_space<hbm>>
      %dma_wait3A_24 = tpu.memref_squeeze %dma_wait3A_23 : memref<1x10240xi32, #tpu.memory_space<hbm>> -> memref<10240xi32, #tpu.memory_space<hbm>>
      tpu.wait_dma2 semaphore(%run_scoped3A : memref<!tpu.dma_semaphore, #tpu.memory_space<semaphore_mem>>) src(%dma_wait3A_24 : memref<10240xi32, #tpu.memory_space<hbm>>) dst(%arg4 : memref<10240xi32, #tpu.memory_space<vmem>>)
      tpu.yield
    }) : () -> ()
    %broadcast_in_dim3A = arith.constant 0.000000e+00 : f32
    %broadcast_in_dim3A_1 = vector.broadcast %broadcast_in_dim3A : f32 to vector<16xf32>
    %scan3A = arith.constant 0 : i32
    %scan3A_2 = arith.constant 0 : i32
    %scan3A_3 = arith.constant 640 : i32
    %scan3A_4 = arith.addi %scan3A_2, %scan3A_3 : i32
    %scan3A_5 = arith.constant 1 : i32
    scf.for %scan3A_15 = %scan3A_2 to %scan3A_4 step %scan3A_5  : i32 {
      %swap3A = arith.index_cast %scan3A_15 : i32 to index
      %swap3A_16 = arith.constant 0 : index
      %swap3A_17 = tpu.vector_load %arg5[%swap3A, %swap3A_16] {strides = array<i32>} : memref<640x16xf32, #tpu.memory_space<vmem>>, vector<16xf32>,
      tpu.vector_store %arg5[%swap3A, %swap3A_16], %broadcast_in_dim3A_1 {strides = array<i32>} : memref<640x16xf32, #tpu.memory_space<vmem>>, vector<16xf32>,
    }
    %scan3A_6 = arith.constant 640 : i32
    %broadcast_in_dim3A_7 = arith.constant 1.000000e+00 : f32
    %broadcast_in_dim3A_8 = vector.broadcast %broadcast_in_dim3A_7 : f32 to vector<16xf32>
    %scan3A_9 = arith.constant 0 : i32
    %scan3A_10 = arith.constant 0 : i32
    %scan3A_11 = arith.constant 160 : i32
    %scan3A_12 = arith.addi %scan3A_10, %scan3A_11 : i32
    %scan3A_13 = arith.constant 1 : i32
    scf.for %scan3A_15 = %scan3A_10 to %scan3A_12 step %scan3A_13  : i32 {
      %mul3A_16 = arith.constant 4 : i32
      %mul3A_17 = arith.muli %scan3A_15, %mul3A_16 : i32
      %add3A_18 = arith.constant 0 : i32
      %add3A_19 = arith.addi %mul3A_17, %add3A_18 : i32
      %mul3A_20 = arith.constant 16 : i32
      %mul3A_21 = arith.muli %add3A_19, %mul3A_20 : i32
      %get3A = arith.index_cast %mul3A_21 : i32 to index
      %get3A_22 = tpu.vector_load %arg4[%get3A] {strides = array<i32>} : memref<10240xi32, #tpu.memory_space<vmem>>, vector<16xi32>,
      %shift_right_arithmetic3A = arith.constant 4 : i32
      %shift_right_arithmetic3A_23 = vector.broadcast %shift_right_arithmetic3A : i32 to vector<16xi32>
      %shift_right_arithmetic3A_24 = arith.shrsi %get3A_22, %shift_right_arithmetic3A_23 : vector<16xi32>
      %and3A = arith.constant 15 : i32
      %and3A_25 = vector.broadcast %and3A : i32 to vector<16xi32>
      %and3A_26 = arith.andi %get3A_22, %and3A_25 : vector<16xi32>
      tpu.vector_store_idx %arg5[%shift_right_arithmetic3A_24, %and3A_26], %broadcast_in_dim3A_8 {add = true} : memref<640x16xf32, #tpu.memory_space<vmem>>[vector<16xi32>, vector<16xi32>], vector<16xf32>,
      %mul3A_27 = arith.constant 4 : i32
      %mul3A_28 = arith.muli %scan3A_15, %mul3A_27 : i32
      %add3A_29 = arith.constant 1 : i32
      %add3A_30 = arith.addi %mul3A_28, %add3A_29 : i32
      %mul3A_31 = arith.constant 16 : i32
      %mul3A_32 = arith.muli %add3A_30, %mul3A_31 : i32
      %get3A_33 = arith.index_cast %mul3A_32 : i32 to index
      %get3A_34 = tpu.vector_load %arg4[%get3A_33] {strides = array<i32>} : memref<10240xi32, #tpu.memory_space<vmem>>, vector<16xi32>,
      %shift_right_arithmetic3A_35 = arith.constant 4 : i32
      %shift_right_arithmetic3A_36 = vector.broadcast %shift_right_arithmetic3A_35 : i32 to vector<16xi32>
      %shift_right_arithmetic3A_37 = arith.shrsi %get3A_34, %shift_right_arithmetic3A_36 : vector<16xi32>
      %and3A_38 = arith.constant 15 : i32
      %and3A_39 = vector.broadcast %and3A_38 : i32 to vector<16xi32>
      %and3A_40 = arith.andi %get3A_34, %and3A_39 : vector<16xi32>
      tpu.vector_store_idx %arg5[%shift_right_arithmetic3A_37, %and3A_40], %broadcast_in_dim3A_8 {add = true} : memref<640x16xf32, #tpu.memory_space<vmem>>[vector<16xi32>, vector<16xi32>], vector<16xf32>,
      %mul3A_41 = arith.constant 4 : i32
      %mul3A_42 = arith.muli %scan3A_15, %mul3A_41 : i32
      %add3A_43 = arith.constant 2 : i32
      %add3A_44 = arith.addi %mul3A_42, %add3A_43 : i32
      %mul3A_45 = arith.constant 16 : i32
      %mul3A_46 = arith.muli %add3A_44, %mul3A_45 : i32
      %get3A_47 = arith.index_cast %mul3A_46 : i32 to index
      %get3A_48 = tpu.vector_load %arg4[%get3A_47] {strides = array<i32>} : memref<10240xi32, #tpu.memory_space<vmem>>, vector<16xi32>,
      %shift_right_arithmetic3A_49 = arith.constant 4 : i32
      %shift_right_arithmetic3A_50 = vector.broadcast %shift_right_arithmetic3A_49 : i32 to vector<16xi32>
      %shift_right_arithmetic3A_51 = arith.shrsi %get3A_48, %shift_right_arithmetic3A_50 : vector<16xi32>
      %and3A_52 = arith.constant 15 : i32
      %and3A_53 = vector.broadcast %and3A_52 : i32 to vector<16xi32>
      %and3A_54 = arith.andi %get3A_48, %and3A_53 : vector<16xi32>
      tpu.vector_store_idx %arg5[%shift_right_arithmetic3A_51, %and3A_54], %broadcast_in_dim3A_8 {add = true} : memref<640x16xf32, #tpu.memory_space<vmem>>[vector<16xi32>, vector<16xi32>], vector<16xf32>,
      %mul3A_55 = arith.constant 4 : i32
      %mul3A_56 = arith.muli %scan3A_15, %mul3A_55 : i32
      %add3A_57 = arith.constant 3 : i32
      %add3A_58 = arith.addi %mul3A_56, %add3A_57 : i32
      %mul3A_59 = arith.constant 16 : i32
      %mul3A_60 = arith.muli %add3A_58, %mul3A_59 : i32
      %get3A_61 = arith.index_cast %mul3A_60 : i32 to index
      %get3A_62 = tpu.vector_load %arg4[%get3A_61] {strides = array<i32>} : memref<10240xi32, #tpu.memory_space<vmem>>, vector<16xi32>,
      %shift_right_arithmetic3A_63 = arith.constant 4 : i32
      %shift_right_arithmetic3A_64 = vector.broadcast %shift_right_arithmetic3A_63 : i32 to vector<16xi32>
      %shift_right_arithmetic3A_65 = arith.shrsi %get3A_62, %shift_right_arithmetic3A_64 : vector<16xi32>
      %and3A_66 = arith.constant 15 : i32
      %and3A_67 = vector.broadcast %and3A_66 : i32 to vector<16xi32>
      %and3A_68 = arith.andi %get3A_62, %and3A_67 : vector<16xi32>
      tpu.vector_store_idx %arg5[%shift_right_arithmetic3A_65, %and3A_68], %broadcast_in_dim3A_8 {add = true} : memref<640x16xf32, #tpu.memory_space<vmem>>[vector<16xi32>, vector<16xi32>], vector<16xf32>,
    }
    %scan3A_14 = arith.constant 160 : i32
    "tpu.region"() ({
      %run_scoped3A = tpu.sem_alloc : memref<!tpu.dma_semaphore, #tpu.memory_space<semaphore_mem>>
      %dma_start3A = arith.constant 0 : i32
      %dma_start3A_15 = arith.constant 0 : i32
      %dma_start3A_16 = tpu.memref_slice %arg3[%add3A, %dma_start3A, %dma_start3A_15] : memref<32x640x16xf32, #tpu.memory_space<hbm>> -> memref<1x640x16xf32, #tpu.memory_space<hbm>>
      %dma_start3A_17 = tpu.memref_squeeze %dma_start3A_16 : memref<1x640x16xf32, #tpu.memory_space<hbm>> -> memref<640x16xf32, #tpu.memory_space<hbm>>
      %dma_start3A_18 = arith.constant 0 : i32
      %dma_start3A_19 = arith.constant 0 : i32
      %dma_start3A_20 = tpu.memref_slice %arg3[%add3A, %dma_start3A_18, %dma_start3A_19] : memref<32x640x16xf32, #tpu.memory_space<hbm>> -> memref<1x640x16xf32, #tpu.memory_space<hbm>>
      %dma_start3A_21 = tpu.memref_squeeze %dma_start3A_20 : memref<1x640x16xf32, #tpu.memory_space<hbm>> -> memref<640x16xf32, #tpu.memory_space<hbm>>
      tpu.enqueue_dma source(%arg5 : memref<640x16xf32, #tpu.memory_space<vmem>>) target(%dma_start3A_21 : memref<640x16xf32, #tpu.memory_space<hbm>>) target_semaphore(%run_scoped3A : memref<!tpu.dma_semaphore, #tpu.memory_space<semaphore_mem>>)
      %dma_wait3A = arith.constant 0 : i32
      %dma_wait3A_22 = arith.constant 0 : i32
      %dma_wait3A_23 = tpu.memref_slice %arg3[%add3A, %dma_wait3A, %dma_wait3A_22] : memref<32x640x16xf32, #tpu.memory_space<hbm>> -> memref<1x640x16xf32, #tpu.memory_space<hbm>>
      %dma_wait3A_24 = tpu.memref_squeeze %dma_wait3A_23 : memref<1x640x16xf32, #tpu.memory_space<hbm>> -> memref<640x16xf32, #tpu.memory_space<hbm>>
      %dma_wait3A_25 = arith.constant 0 : i32
      %dma_wait3A_26 = arith.constant 0 : i32
      %dma_wait3A_27 = tpu.memref_slice %arg3[%add3A, %dma_wait3A_25, %dma_wait3A_26] : memref<32x640x16xf32, #tpu.memory_space<hbm>> -> memref<1x640x16xf32, #tpu.memory_space<hbm>>
      %dma_wait3A_28 = tpu.memref_squeeze %dma_wait3A_27 : memref<1x640x16xf32, #tpu.memory_space<hbm>> -> memref<640x16xf32, #tpu.memory_space<hbm>>
      tpu.wait_dma2 semaphore(%run_scoped3A : memref<!tpu.dma_semaphore, #tpu.memory_space<semaphore_mem>>) src(%arg5 : memref<640x16xf32, #tpu.memory_space<vmem>>) dst(%dma_wait3A_28 : memref<640x16xf32, #tpu.memory_space<hbm>>)
      tpu.yield
    }) : () -> ()
    return
  }
}

#map = affine_map<(d0, d1) -> (0, 0)>
#map1 = affine_map<(d0, d1) -> (0, 0, 0)>
module attributes {stable_mosaic.version = 14 : i64} {
  func.func @_prop(%arg0: i32, %arg1: i32, %arg2: memref<10240x64xf32, #tpu.memory_space<hbm>>, %arg3: memref<32x80x128xi32, #tpu.memory_space<hbm>>, %arg4: memref<32x80x128xi32, #tpu.memory_space<hbm>>, %arg5: memref<10240x64xf32, #tpu.memory_space<hbm>>, %arg6: memref<2x10240x64xf32, #tpu.memory_space<hbm>>, %arg7: memref<80x128xi32, #tpu.memory_space<vmem>>, %arg8: memref<80x128xi32, #tpu.memory_space<vmem>>, %arg9: memref<128x64xf32, #tpu.memory_space<vmem>>, %arg10: memref<128x64xf32, #tpu.memory_space<vmem>>, %arg11: memref<10240x64xf32, #tpu.memory_space<vmem_shared>>, %arg12: memref<10240x64xf32, #tpu.memory_space<vmem_shared>>, %arg13: memref<!tpu.dma_semaphore, #tpu.memory_space<semaphore_mem>>, %arg14: memref<!tpu.dma_semaphore, #tpu.memory_space<semaphore_mem>>) attributes {dimension_semantics = [#tpu.dimension_semantics<core_parallel>, #tpu.dimension_semantics<subcore_parallel>], iteration_bounds = array<i64: 2, 16>, scalar_prefetch = 0 : i64, scratch_operands = 8 : i64, tpu.core_type = #tpu.core_type<sc_vector_subcore>, window_params = [{transform_indices = #map}, {transform_indices = #map1}, {transform_indices = #map1}, {transform_indices = #map}, {transform_indices = #map1}]} {
    %mul3A = arith.constant 16 : i32
    %mul3A_0 = arith.muli %arg0, %mul3A : i32
    %add3A = arith.addi %mul3A_0, %arg1 : i32
    %mul3A_1 = arith.constant 640 : i32
    %mul3A_2 = arith.muli %arg1, %mul3A_1 : i32
    "tpu.region"() ({
      %run_scoped3A = tpu.sem_alloc : memref<!tpu.dma_semaphore, #tpu.memory_space<semaphore_mem>>
      %dma_start3A_21 = arith.constant 0 : i32
      %dma_start3A_22 = tpu.memref_slice %arg12[%mul3A_2, %dma_start3A_21] : memref<10240x64xf32, #tpu.memory_space<vmem_shared>> -> memref<640x64xf32, #tpu.memory_space<vmem_shared>>
      %dma_start3A_23 = arith.constant 0 : i32
      %dma_start3A_24 = tpu.memref_slice %arg5[%mul3A_2, %dma_start3A_23] : memref<10240x64xf32, #tpu.memory_space<hbm>> -> memref<640x64xf32, #tpu.memory_space<hbm>>
      tpu.enqueue_dma source(%dma_start3A_24 : memref<640x64xf32, #tpu.memory_space<hbm>>) target(%dma_start3A_22 : memref<640x64xf32, #tpu.memory_space<vmem_shared>>) target_semaphore(%run_scoped3A : memref<!tpu.dma_semaphore, #tpu.memory_space<semaphore_mem>>)
      %dma_wait3A_25 = arith.constant 0 : i32
      %dma_wait3A_26 = tpu.memref_slice %arg12[%mul3A_2, %dma_wait3A_25] : memref<10240x64xf32, #tpu.memory_space<vmem_shared>> -> memref<640x64xf32, #tpu.memory_space<vmem_shared>>
      %dma_wait3A_27 = arith.constant 0 : i32
      %dma_wait3A_28 = tpu.memref_slice %arg5[%mul3A_2, %dma_wait3A_27] : memref<10240x64xf32, #tpu.memory_space<hbm>> -> memref<640x64xf32, #tpu.memory_space<hbm>>
      tpu.wait_dma2 semaphore(%run_scoped3A : memref<!tpu.dma_semaphore, #tpu.memory_space<semaphore_mem>>) src(%dma_wait3A_28 : memref<640x64xf32, #tpu.memory_space<hbm>>) dst(%dma_wait3A_26 : memref<640x64xf32, #tpu.memory_space<vmem_shared>>)
      tpu.yield
    }) : () -> ()
    "tpu.region"() ({
      %run_scoped3A = tpu.sem_alloc : memref<!tpu.dma_semaphore, #tpu.memory_space<semaphore_mem>>
      %dma_start3A_21 = arith.constant 0 : i32
      %dma_start3A_22 = tpu.memref_slice %arg11[%mul3A_2, %dma_start3A_21] : memref<10240x64xf32, #tpu.memory_space<vmem_shared>> -> memref<640x64xf32, #tpu.memory_space<vmem_shared>>
      %dma_start3A_23 = arith.constant 0 : i32
      %dma_start3A_24 = tpu.memref_slice %arg2[%mul3A_2, %dma_start3A_23] : memref<10240x64xf32, #tpu.memory_space<hbm>> -> memref<640x64xf32, #tpu.memory_space<hbm>>
      tpu.enqueue_dma source(%dma_start3A_24 : memref<640x64xf32, #tpu.memory_space<hbm>>) target(%dma_start3A_22 : memref<640x64xf32, #tpu.memory_space<vmem_shared>>) target_semaphore(%run_scoped3A : memref<!tpu.dma_semaphore, #tpu.memory_space<semaphore_mem>>)
      %dma_wait3A_25 = arith.constant 0 : i32
      %dma_wait3A_26 = tpu.memref_slice %arg11[%mul3A_2, %dma_wait3A_25] : memref<10240x64xf32, #tpu.memory_space<vmem_shared>> -> memref<640x64xf32, #tpu.memory_space<vmem_shared>>
      %dma_wait3A_27 = arith.constant 0 : i32
      %dma_wait3A_28 = tpu.memref_slice %arg2[%mul3A_2, %dma_wait3A_27] : memref<10240x64xf32, #tpu.memory_space<hbm>> -> memref<640x64xf32, #tpu.memory_space<hbm>>
      tpu.wait_dma2 semaphore(%run_scoped3A : memref<!tpu.dma_semaphore, #tpu.memory_space<semaphore_mem>>) src(%dma_wait3A_28 : memref<640x64xf32, #tpu.memory_space<hbm>>) dst(%dma_wait3A_26 : memref<640x64xf32, #tpu.memory_space<vmem_shared>>)
      tpu.yield
    }) : () -> ()
    "tpu.region"() ({
      %run_scoped3A = tpu.sem_alloc : memref<!tpu.dma_semaphore, #tpu.memory_space<semaphore_mem>>
      %dma_start3A_21 = arith.constant 0 : i32
      %dma_start3A_22 = arith.constant 0 : i32
      %dma_start3A_23 = tpu.memref_slice %arg3[%add3A, %dma_start3A_21, %dma_start3A_22] : memref<32x80x128xi32, #tpu.memory_space<hbm>> -> memref<1x80x128xi32, #tpu.memory_space<hbm>>
      %dma_start3A_24 = tpu.memref_squeeze %dma_start3A_23 : memref<1x80x128xi32, #tpu.memory_space<hbm>> -> memref<80x128xi32, #tpu.memory_space<hbm>>
      %dma_start3A_25 = arith.constant 0 : i32
      %dma_start3A_26 = arith.constant 0 : i32
      %dma_start3A_27 = tpu.memref_slice %arg3[%add3A, %dma_start3A_25, %dma_start3A_26] : memref<32x80x128xi32, #tpu.memory_space<hbm>> -> memref<1x80x128xi32, #tpu.memory_space<hbm>>
      %dma_start3A_28 = tpu.memref_squeeze %dma_start3A_27 : memref<1x80x128xi32, #tpu.memory_space<hbm>> -> memref<80x128xi32, #tpu.memory_space<hbm>>
      tpu.enqueue_dma source(%dma_start3A_28 : memref<80x128xi32, #tpu.memory_space<hbm>>) target(%arg7 : memref<80x128xi32, #tpu.memory_space<vmem>>) target_semaphore(%run_scoped3A : memref<!tpu.dma_semaphore, #tpu.memory_space<semaphore_mem>>)
      %dma_wait3A_29 = arith.constant 0 : i32
      %dma_wait3A_30 = arith.constant 0 : i32
      %dma_wait3A_31 = tpu.memref_slice %arg3[%add3A, %dma_wait3A_29, %dma_wait3A_30] : memref<32x80x128xi32, #tpu.memory_space<hbm>> -> memref<1x80x128xi32, #tpu.memory_space<hbm>>
      %dma_wait3A_32 = tpu.memref_squeeze %dma_wait3A_31 : memref<1x80x128xi32, #tpu.memory_space<hbm>> -> memref<80x128xi32, #tpu.memory_space<hbm>>
      %dma_wait3A_33 = arith.constant 0 : i32
      %dma_wait3A_34 = arith.constant 0 : i32
      %dma_wait3A_35 = tpu.memref_slice %arg3[%add3A, %dma_wait3A_33, %dma_wait3A_34] : memref<32x80x128xi32, #tpu.memory_space<hbm>> -> memref<1x80x128xi32, #tpu.memory_space<hbm>>
      %dma_wait3A_36 = tpu.memref_squeeze %dma_wait3A_35 : memref<1x80x128xi32, #tpu.memory_space<hbm>> -> memref<80x128xi32, #tpu.memory_space<hbm>>
      tpu.wait_dma2 semaphore(%run_scoped3A : memref<!tpu.dma_semaphore, #tpu.memory_space<semaphore_mem>>) src(%dma_wait3A_36 : memref<80x128xi32, #tpu.memory_space<hbm>>) dst(%arg7 : memref<80x128xi32, #tpu.memory_space<vmem>>)
      tpu.yield
    }) : () -> ()
    "tpu.region"() ({
      %run_scoped3A = tpu.sem_alloc : memref<!tpu.dma_semaphore, #tpu.memory_space<semaphore_mem>>
      %dma_start3A_21 = arith.constant 0 : i32
      %dma_start3A_22 = arith.constant 0 : i32
      %dma_start3A_23 = tpu.memref_slice %arg4[%add3A, %dma_start3A_21, %dma_start3A_22] : memref<32x80x128xi32, #tpu.memory_space<hbm>> -> memref<1x80x128xi32, #tpu.memory_space<hbm>>
      %dma_start3A_24 = tpu.memref_squeeze %dma_start3A_23 : memref<1x80x128xi32, #tpu.memory_space<hbm>> -> memref<80x128xi32, #tpu.memory_space<hbm>>
      %dma_start3A_25 = arith.constant 0 : i32
      %dma_start3A_26 = arith.constant 0 : i32
      %dma_start3A_27 = tpu.memref_slice %arg4[%add3A, %dma_start3A_25, %dma_start3A_26] : memref<32x80x128xi32, #tpu.memory_space<hbm>> -> memref<1x80x128xi32, #tpu.memory_space<hbm>>
      %dma_start3A_28 = tpu.memref_squeeze %dma_start3A_27 : memref<1x80x128xi32, #tpu.memory_space<hbm>> -> memref<80x128xi32, #tpu.memory_space<hbm>>
      tpu.enqueue_dma source(%dma_start3A_28 : memref<80x128xi32, #tpu.memory_space<hbm>>) target(%arg8 : memref<80x128xi32, #tpu.memory_space<vmem>>) target_semaphore(%run_scoped3A : memref<!tpu.dma_semaphore, #tpu.memory_space<semaphore_mem>>)
      %dma_wait3A_29 = arith.constant 0 : i32
      %dma_wait3A_30 = arith.constant 0 : i32
      %dma_wait3A_31 = tpu.memref_slice %arg4[%add3A, %dma_wait3A_29, %dma_wait3A_30] : memref<32x80x128xi32, #tpu.memory_space<hbm>> -> memref<1x80x128xi32, #tpu.memory_space<hbm>>
      %dma_wait3A_32 = tpu.memref_squeeze %dma_wait3A_31 : memref<1x80x128xi32, #tpu.memory_space<hbm>> -> memref<80x128xi32, #tpu.memory_space<hbm>>
      %dma_wait3A_33 = arith.constant 0 : i32
      %dma_wait3A_34 = arith.constant 0 : i32
      %dma_wait3A_35 = tpu.memref_slice %arg4[%add3A, %dma_wait3A_33, %dma_wait3A_34] : memref<32x80x128xi32, #tpu.memory_space<hbm>> -> memref<1x80x128xi32, #tpu.memory_space<hbm>>
      %dma_wait3A_36 = tpu.memref_squeeze %dma_wait3A_35 : memref<1x80x128xi32, #tpu.memory_space<hbm>> -> memref<80x128xi32, #tpu.memory_space<hbm>>
      tpu.wait_dma2 semaphore(%run_scoped3A : memref<!tpu.dma_semaphore, #tpu.memory_space<semaphore_mem>>) src(%dma_wait3A_36 : memref<80x128xi32, #tpu.memory_space<hbm>>) dst(%arg8 : memref<80x128xi32, #tpu.memory_space<vmem>>)
      tpu.yield
    }) : () -> ()
    %barrier3A = arith.constant 0 : index
    tpu.barrier barrier_id(%barrier3A)
    %dma_start3A = arith.constant 0 : i32
    %dma_start3A_3 = arith.constant 0 : i32
    %dma_start3A_4 = tpu.memref_slice %arg7[%dma_start3A, %dma_start3A_3] : memref<80x128xi32, #tpu.memory_space<vmem>> -> memref<1x128xi32, #tpu.memory_space<vmem>>
    %dma_start3A_5 = tpu.memref_squeeze %dma_start3A_4 : memref<1x128xi32, #tpu.memory_space<vmem>> -> memref<128xi32, #tpu.memory_space<vmem>>
    %dma_start3A_6 = arith.constant 0 : i32
    %dma_start3A_7 = arith.constant 0 : i32
    %dma_start3A_8 = tpu.memref_slice %arg11[%dma_start3A_6, %dma_start3A_7] : memref<10240x64xf32, #tpu.memory_space<vmem_shared>> -> memref<10240x64xf32, #tpu.memory_space<vmem_shared>>
    tpu.enqueue_indirect_dma source(%dma_start3A_8 : memref<10240x64xf32, #tpu.memory_space<vmem_shared>>) target(%arg9 : memref<128x64xf32, #tpu.memory_space<vmem>>) offsets(%dma_start3A_5 : memref<128xi32, #tpu.memory_space<vmem>>) semaphore(%arg13 : memref<!tpu.dma_semaphore, #tpu.memory_space<semaphore_mem>>)
    %scan3A = arith.constant 0 : i32
    %scan3A_9 = arith.constant 0 : i32
    %scan3A_10 = arith.constant 20 : i32
    %scan3A_11 = arith.addi %scan3A_9, %scan3A_10 : i32
    %scan3A_12 = arith.constant 1 : i32
    scf.for %scan3A_21 = %scan3A_9 to %scan3A_11 step %scan3A_12  : i32 {
      %mul3A_22 = arith.constant 4 : i32
      %mul3A_23 = arith.muli %mul3A_22, %scan3A_21 : i32
      %add3A_24 = arith.constant 0 : i32
      %add3A_25 = arith.addi %mul3A_23, %add3A_24 : i32
      %add3A_26 = arith.constant 1 : i32
      %add3A_27 = arith.addi %add3A_25, %add3A_26 : i32
      %dma_start3A_28 = arith.constant 0 : i32
      %dma_start3A_29 = tpu.memref_slice %arg7[%add3A_27, %dma_start3A_28] : memref<80x128xi32, #tpu.memory_space<vmem>> -> memref<1x128xi32, #tpu.memory_space<vmem>>
      %dma_start3A_30 = tpu.memref_squeeze %dma_start3A_29 : memref<1x128xi32, #tpu.memory_space<vmem>> -> memref<128xi32, #tpu.memory_space<vmem>>
      %dma_start3A_31 = arith.constant 0 : i32
      %dma_start3A_32 = arith.constant 0 : i32
      %dma_start3A_33 = tpu.memref_slice %arg11[%dma_start3A_31, %dma_start3A_32] : memref<10240x64xf32, #tpu.memory_space<vmem_shared>> -> memref<10240x64xf32, #tpu.memory_space<vmem_shared>>
      tpu.enqueue_indirect_dma source(%dma_start3A_33 : memref<10240x64xf32, #tpu.memory_space<vmem_shared>>) target(%arg10 : memref<128x64xf32, #tpu.memory_space<vmem>>) offsets(%dma_start3A_30 : memref<128xi32, #tpu.memory_space<vmem>>) semaphore(%arg14 : memref<!tpu.dma_semaphore, #tpu.memory_space<semaphore_mem>>)
      %dma_wait3A_34 = arith.constant 0 : i32
      %dma_wait3A_35 = tpu.memref_slice %arg7[%add3A_25, %dma_wait3A_34] : memref<80x128xi32, #tpu.memory_space<vmem>> -> memref<1x128xi32, #tpu.memory_space<vmem>>
      %dma_wait3A_36 = tpu.memref_squeeze %dma_wait3A_35 : memref<1x128xi32, #tpu.memory_space<vmem>> -> memref<128xi32, #tpu.memory_space<vmem>>
      %dma_wait3A_37 = arith.constant 0 : i32
      %dma_wait3A_38 = arith.constant 0 : i32
      %dma_wait3A_39 = tpu.memref_slice %arg11[%dma_wait3A_37, %dma_wait3A_38] : memref<10240x64xf32, #tpu.memory_space<vmem_shared>> -> memref<10240x64xf32, #tpu.memory_space<vmem_shared>>
      tpu.wait_indirect_dma semaphore(%arg13 : memref<!tpu.dma_semaphore, #tpu.memory_space<semaphore_mem>>) src(%dma_wait3A_39 : memref<10240x64xf32, #tpu.memory_space<vmem_shared>>) dst(%arg9 : memref<128x64xf32, #tpu.memory_space<vmem>>)
      "tpu.region"() ({
        %run_scoped3A = tpu.sem_alloc : memref<!tpu.dma_semaphore, #tpu.memory_space<semaphore_mem>>
        %dma_start3A_89 = arith.constant 0 : i32
        %dma_start3A_90 = tpu.memref_slice %arg8[%add3A_25, %dma_start3A_89] : memref<80x128xi32, #tpu.memory_space<vmem>> -> memref<1x128xi32, #tpu.memory_space<vmem>>
        %dma_start3A_91 = tpu.memref_squeeze %dma_start3A_90 : memref<1x128xi32, #tpu.memory_space<vmem>> -> memref<128xi32, #tpu.memory_space<vmem>>
        %dma_start3A_92 = arith.constant 0 : i32
        %dma_start3A_93 = arith.constant 0 : i32
        %dma_start3A_94 = tpu.memref_slice %arg12[%dma_start3A_92, %dma_start3A_93] : memref<10240x64xf32, #tpu.memory_space<vmem_shared>> -> memref<10240x64xf32, #tpu.memory_space<vmem_shared>>
        tpu.enqueue_indirect_dma source(%arg9 : memref<128x64xf32, #tpu.memory_space<vmem>>) target(%dma_start3A_94 : memref<10240x64xf32, #tpu.memory_space<vmem_shared>>) offsets(%dma_start3A_91 : memref<128xi32, #tpu.memory_space<vmem>>) semaphore(%run_scoped3A : memref<!tpu.dma_semaphore, #tpu.memory_space<semaphore_mem>>) {add = true}
        %dma_wait3A_95 = arith.constant 0 : i32
        %dma_wait3A_96 = tpu.memref_slice %arg8[%add3A_25, %dma_wait3A_95] : memref<80x128xi32, #tpu.memory_space<vmem>> -> memref<1x128xi32, #tpu.memory_space<vmem>>
        %dma_wait3A_97 = tpu.memref_squeeze %dma_wait3A_96 : memref<1x128xi32, #tpu.memory_space<vmem>> -> memref<128xi32, #tpu.memory_space<vmem>>
        %dma_wait3A_98 = arith.constant 0 : i32
        %dma_wait3A_99 = arith.constant 0 : i32
        %dma_wait3A_100 = tpu.memref_slice %arg12[%dma_wait3A_98, %dma_wait3A_99] : memref<10240x64xf32, #tpu.memory_space<vmem_shared>> -> memref<10240x64xf32, #tpu.memory_space<vmem_shared>>
        tpu.wait_indirect_dma semaphore(%run_scoped3A : memref<!tpu.dma_semaphore, #tpu.memory_space<semaphore_mem>>) src(%arg9 : memref<128x64xf32, #tpu.memory_space<vmem>>) dst(%dma_wait3A_100 : memref<10240x64xf32, #tpu.memory_space<vmem_shared>>)
        tpu.yield
      }) : () -> ()
      %add3A_40 = arith.constant 1 : i32
      %add3A_41 = arith.addi %mul3A_23, %add3A_40 : i32
      %add3A_42 = arith.constant 1 : i32
      %add3A_43 = arith.addi %add3A_41, %add3A_42 : i32
      %dma_start3A_44 = arith.constant 0 : i32
      %dma_start3A_45 = tpu.memref_slice %arg7[%add3A_43, %dma_start3A_44] : memref<80x128xi32, #tpu.memory_space<vmem>> -> memref<1x128xi32, #tpu.memory_space<vmem>>
      %dma_start3A_46 = tpu.memref_squeeze %dma_start3A_45 : memref<1x128xi32, #tpu.memory_space<vmem>> -> memref<128xi32, #tpu.memory_space<vmem>>
      %dma_start3A_47 = arith.constant 0 : i32
      %dma_start3A_48 = arith.constant 0 : i32
      %dma_start3A_49 = tpu.memref_slice %arg11[%dma_start3A_47, %dma_start3A_48] : memref<10240x64xf32, #tpu.memory_space<vmem_shared>> -> memref<10240x64xf32, #tpu.memory_space<vmem_shared>>
      tpu.enqueue_indirect_dma source(%dma_start3A_49 : memref<10240x64xf32, #tpu.memory_space<vmem_shared>>) target(%arg9 : memref<128x64xf32, #tpu.memory_space<vmem>>) offsets(%dma_start3A_46 : memref<128xi32, #tpu.memory_space<vmem>>) semaphore(%arg13 : memref<!tpu.dma_semaphore, #tpu.memory_space<semaphore_mem>>)
      %dma_wait3A_50 = arith.constant 0 : i32
      %dma_wait3A_51 = tpu.memref_slice %arg7[%add3A_41, %dma_wait3A_50] : memref<80x128xi32, #tpu.memory_space<vmem>> -> memref<1x128xi32, #tpu.memory_space<vmem>>
      %dma_wait3A_52 = tpu.memref_squeeze %dma_wait3A_51 : memref<1x128xi32, #tpu.memory_space<vmem>> -> memref<128xi32, #tpu.memory_space<vmem>>
      %dma_wait3A_53 = arith.constant 0 : i32
      %dma_wait3A_54 = arith.constant 0 : i32
      %dma_wait3A_55 = tpu.memref_slice %arg11[%dma_wait3A_53, %dma_wait3A_54] : memref<10240x64xf32, #tpu.memory_space<vmem_shared>> -> memref<10240x64xf32, #tpu.memory_space<vmem_shared>>
      tpu.wait_indirect_dma semaphore(%arg14 : memref<!tpu.dma_semaphore, #tpu.memory_space<semaphore_mem>>) src(%dma_wait3A_55 : memref<10240x64xf32, #tpu.memory_space<vmem_shared>>) dst(%arg10 : memref<128x64xf32, #tpu.memory_space<vmem>>)
      "tpu.region"() ({
        %run_scoped3A = tpu.sem_alloc : memref<!tpu.dma_semaphore, #tpu.memory_space<semaphore_mem>>
        %dma_start3A_89 = arith.constant 0 : i32
        %dma_start3A_90 = tpu.memref_slice %arg8[%add3A_41, %dma_start3A_89] : memref<80x128xi32, #tpu.memory_space<vmem>> -> memref<1x128xi32, #tpu.memory_space<vmem>>
        %dma_start3A_91 = tpu.memref_squeeze %dma_start3A_90 : memref<1x128xi32, #tpu.memory_space<vmem>> -> memref<128xi32, #tpu.memory_space<vmem>>
        %dma_start3A_92 = arith.constant 0 : i32
        %dma_start3A_93 = arith.constant 0 : i32
        %dma_start3A_94 = tpu.memref_slice %arg12[%dma_start3A_92, %dma_start3A_93] : memref<10240x64xf32, #tpu.memory_space<vmem_shared>> -> memref<10240x64xf32, #tpu.memory_space<vmem_shared>>
        tpu.enqueue_indirect_dma source(%arg10 : memref<128x64xf32, #tpu.memory_space<vmem>>) target(%dma_start3A_94 : memref<10240x64xf32, #tpu.memory_space<vmem_shared>>) offsets(%dma_start3A_91 : memref<128xi32, #tpu.memory_space<vmem>>) semaphore(%run_scoped3A : memref<!tpu.dma_semaphore, #tpu.memory_space<semaphore_mem>>) {add = true}
        %dma_wait3A_95 = arith.constant 0 : i32
        %dma_wait3A_96 = tpu.memref_slice %arg8[%add3A_41, %dma_wait3A_95] : memref<80x128xi32, #tpu.memory_space<vmem>> -> memref<1x128xi32, #tpu.memory_space<vmem>>
        %dma_wait3A_97 = tpu.memref_squeeze %dma_wait3A_96 : memref<1x128xi32, #tpu.memory_space<vmem>> -> memref<128xi32, #tpu.memory_space<vmem>>
        %dma_wait3A_98 = arith.constant 0 : i32
        %dma_wait3A_99 = arith.constant 0 : i32
        %dma_wait3A_100 = tpu.memref_slice %arg12[%dma_wait3A_98, %dma_wait3A_99] : memref<10240x64xf32, #tpu.memory_space<vmem_shared>> -> memref<10240x64xf32, #tpu.memory_space<vmem_shared>>
        tpu.wait_indirect_dma semaphore(%run_scoped3A : memref<!tpu.dma_semaphore, #tpu.memory_space<semaphore_mem>>) src(%arg10 : memref<128x64xf32, #tpu.memory_space<vmem>>) dst(%dma_wait3A_100 : memref<10240x64xf32, #tpu.memory_space<vmem_shared>>)
        tpu.yield
      }) : () -> ()
      %add3A_56 = arith.constant 2 : i32
      %add3A_57 = arith.addi %mul3A_23, %add3A_56 : i32
      %add3A_58 = arith.constant 1 : i32
      %add3A_59 = arith.addi %add3A_57, %add3A_58 : i32
      %dma_start3A_60 = arith.constant 0 : i32
      %dma_start3A_61 = tpu.memref_slice %arg7[%add3A_59, %dma_start3A_60] : memref<80x128xi32, #tpu.memory_space<vmem>> -> memref<1x128xi32, #tpu.memory_space<vmem>>
      %dma_start3A_62 = tpu.memref_squeeze %dma_start3A_61 : memref<1x128xi32, #tpu.memory_space<vmem>> -> memref<128xi32, #tpu.memory_space<vmem>>
      %dma_start3A_63 = arith.constant 0 : i32
      %dma_start3A_64 = arith.constant 0 : i32
      %dma_start3A_65 = tpu.memref_slice %arg11[%dma_start3A_63, %dma_start3A_64] : memref<10240x64xf32, #tpu.memory_space<vmem_shared>> -> memref<10240x64xf32, #tpu.memory_space<vmem_shared>>
      tpu.enqueue_indirect_dma source(%dma_start3A_65 : memref<10240x64xf32, #tpu.memory_space<vmem_shared>>) target(%arg10 : memref<128x64xf32, #tpu.memory_space<vmem>>) offsets(%dma_start3A_62 : memref<128xi32, #tpu.memory_space<vmem>>) semaphore(%arg14 : memref<!tpu.dma_semaphore, #tpu.memory_space<semaphore_mem>>)
      %dma_wait3A_66 = arith.constant 0 : i32
      %dma_wait3A_67 = tpu.memref_slice %arg7[%add3A_57, %dma_wait3A_66] : memref<80x128xi32, #tpu.memory_space<vmem>> -> memref<1x128xi32, #tpu.memory_space<vmem>>
      %dma_wait3A_68 = tpu.memref_squeeze %dma_wait3A_67 : memref<1x128xi32, #tpu.memory_space<vmem>> -> memref<128xi32, #tpu.memory_space<vmem>>
      %dma_wait3A_69 = arith.constant 0 : i32
      %dma_wait3A_70 = arith.constant 0 : i32
      %dma_wait3A_71 = tpu.memref_slice %arg11[%dma_wait3A_69, %dma_wait3A_70] : memref<10240x64xf32, #tpu.memory_space<vmem_shared>> -> memref<10240x64xf32, #tpu.memory_space<vmem_shared>>
      tpu.wait_indirect_dma semaphore(%arg13 : memref<!tpu.dma_semaphore, #tpu.memory_space<semaphore_mem>>) src(%dma_wait3A_71 : memref<10240x64xf32, #tpu.memory_space<vmem_shared>>) dst(%arg9 : memref<128x64xf32, #tpu.memory_space<vmem>>)
      "tpu.region"() ({
        %run_scoped3A = tpu.sem_alloc : memref<!tpu.dma_semaphore, #tpu.memory_space<semaphore_mem>>
        %dma_start3A_89 = arith.constant 0 : i32
        %dma_start3A_90 = tpu.memref_slice %arg8[%add3A_57, %dma_start3A_89] : memref<80x128xi32, #tpu.memory_space<vmem>> -> memref<1x128xi32, #tpu.memory_space<vmem>>
        %dma_start3A_91 = tpu.memref_squeeze %dma_start3A_90 : memref<1x128xi32, #tpu.memory_space<vmem>> -> memref<128xi32, #tpu.memory_space<vmem>>
        %dma_start3A_92 = arith.constant 0 : i32
        %dma_start3A_93 = arith.constant 0 : i32
        %dma_start3A_94 = tpu.memref_slice %arg12[%dma_start3A_92, %dma_start3A_93] : memref<10240x64xf32, #tpu.memory_space<vmem_shared>> -> memref<10240x64xf32, #tpu.memory_space<vmem_shared>>
        tpu.enqueue_indirect_dma source(%arg9 : memref<128x64xf32, #tpu.memory_space<vmem>>) target(%dma_start3A_94 : memref<10240x64xf32, #tpu.memory_space<vmem_shared>>) offsets(%dma_start3A_91 : memref<128xi32, #tpu.memory_space<vmem>>) semaphore(%run_scoped3A : memref<!tpu.dma_semaphore, #tpu.memory_space<semaphore_mem>>) {add = true}
        %dma_wait3A_95 = arith.constant 0 : i32
        %dma_wait3A_96 = tpu.memref_slice %arg8[%add3A_57, %dma_wait3A_95] : memref<80x128xi32, #tpu.memory_space<vmem>> -> memref<1x128xi32, #tpu.memory_space<vmem>>
        %dma_wait3A_97 = tpu.memref_squeeze %dma_wait3A_96 : memref<1x128xi32, #tpu.memory_space<vmem>> -> memref<128xi32, #tpu.memory_space<vmem>>
        %dma_wait3A_98 = arith.constant 0 : i32
        %dma_wait3A_99 = arith.constant 0 : i32
        %dma_wait3A_100 = tpu.memref_slice %arg12[%dma_wait3A_98, %dma_wait3A_99] : memref<10240x64xf32, #tpu.memory_space<vmem_shared>> -> memref<10240x64xf32, #tpu.memory_space<vmem_shared>>
        tpu.wait_indirect_dma semaphore(%run_scoped3A : memref<!tpu.dma_semaphore, #tpu.memory_space<semaphore_mem>>) src(%arg9 : memref<128x64xf32, #tpu.memory_space<vmem>>) dst(%dma_wait3A_100 : memref<10240x64xf32, #tpu.memory_space<vmem_shared>>)
        tpu.yield
      }) : () -> ()
      %add3A_72 = arith.constant 3 : i32
      %add3A_73 = arith.addi %mul3A_23, %add3A_72 : i32
      %add3A_74 = arith.constant 1 : i32
      %add3A_75 = arith.addi %add3A_73, %add3A_74 : i32
      %min3A = arith.constant 79 : i32
      %min3A_76 = arith.minsi %add3A_75, %min3A : i32
      %dma_start3A_77 = arith.constant 0 : i32
      %dma_start3A_78 = tpu.memref_slice %arg7[%min3A_76, %dma_start3A_77] : memref<80x128xi32, #tpu.memory_space<vmem>> -> memref<1x128xi32, #tpu.memory_space<vmem>>
      %dma_start3A_79 = tpu.memref_squeeze %dma_start3A_78 : memref<1x128xi32, #tpu.memory_space<vmem>> -> memref<128xi32, #tpu.memory_space<vmem>>
      %dma_start3A_80 = arith.constant 0 : i32
      %dma_start3A_81 = arith.constant 0 : i32
      %dma_start3A_82 = tpu.memref_slice %arg11[%dma_start3A_80, %dma_start3A_81] : memref<10240x64xf32, #tpu.memory_space<vmem_shared>> -> memref<10240x64xf32, #tpu.memory_space<vmem_shared>>
      tpu.enqueue_indirect_dma source(%dma_start3A_82 : memref<10240x64xf32, #tpu.memory_space<vmem_shared>>) target(%arg9 : memref<128x64xf32, #tpu.memory_space<vmem>>) offsets(%dma_start3A_79 : memref<128xi32, #tpu.memory_space<vmem>>) semaphore(%arg13 : memref<!tpu.dma_semaphore, #tpu.memory_space<semaphore_mem>>)
      %dma_wait3A_83 = arith.constant 0 : i32
      %dma_wait3A_84 = tpu.memref_slice %arg7[%add3A_73, %dma_wait3A_83] : memref<80x128xi32, #tpu.memory_space<vmem>> -> memref<1x128xi32, #tpu.memory_space<vmem>>
      %dma_wait3A_85 = tpu.memref_squeeze %dma_wait3A_84 : memref<1x128xi32, #tpu.memory_space<vmem>> -> memref<128xi32, #tpu.memory_space<vmem>>
      %dma_wait3A_86 = arith.constant 0 : i32
      %dma_wait3A_87 = arith.constant 0 : i32
      %dma_wait3A_88 = tpu.memref_slice %arg11[%dma_wait3A_86, %dma_wait3A_87] : memref<10240x64xf32, #tpu.memory_space<vmem_shared>> -> memref<10240x64xf32, #tpu.memory_space<vmem_shared>>
      tpu.wait_indirect_dma semaphore(%arg14 : memref<!tpu.dma_semaphore, #tpu.memory_space<semaphore_mem>>) src(%dma_wait3A_88 : memref<10240x64xf32, #tpu.memory_space<vmem_shared>>) dst(%arg10 : memref<128x64xf32, #tpu.memory_space<vmem>>)
      "tpu.region"() ({
        %run_scoped3A = tpu.sem_alloc : memref<!tpu.dma_semaphore, #tpu.memory_space<semaphore_mem>>
        %dma_start3A_89 = arith.constant 0 : i32
        %dma_start3A_90 = tpu.memref_slice %arg8[%add3A_73, %dma_start3A_89] : memref<80x128xi32, #tpu.memory_space<vmem>> -> memref<1x128xi32, #tpu.memory_space<vmem>>
        %dma_start3A_91 = tpu.memref_squeeze %dma_start3A_90 : memref<1x128xi32, #tpu.memory_space<vmem>> -> memref<128xi32, #tpu.memory_space<vmem>>
        %dma_start3A_92 = arith.constant 0 : i32
        %dma_start3A_93 = arith.constant 0 : i32
        %dma_start3A_94 = tpu.memref_slice %arg12[%dma_start3A_92, %dma_start3A_93] : memref<10240x64xf32, #tpu.memory_space<vmem_shared>> -> memref<10240x64xf32, #tpu.memory_space<vmem_shared>>
        tpu.enqueue_indirect_dma source(%arg10 : memref<128x64xf32, #tpu.memory_space<vmem>>) target(%dma_start3A_94 : memref<10240x64xf32, #tpu.memory_space<vmem_shared>>) offsets(%dma_start3A_91 : memref<128xi32, #tpu.memory_space<vmem>>) semaphore(%run_scoped3A : memref<!tpu.dma_semaphore, #tpu.memory_space<semaphore_mem>>) {add = true}
        %dma_wait3A_95 = arith.constant 0 : i32
        %dma_wait3A_96 = tpu.memref_slice %arg8[%add3A_73, %dma_wait3A_95] : memref<80x128xi32, #tpu.memory_space<vmem>> -> memref<1x128xi32, #tpu.memory_space<vmem>>
        %dma_wait3A_97 = tpu.memref_squeeze %dma_wait3A_96 : memref<1x128xi32, #tpu.memory_space<vmem>> -> memref<128xi32, #tpu.memory_space<vmem>>
        %dma_wait3A_98 = arith.constant 0 : i32
        %dma_wait3A_99 = arith.constant 0 : i32
        %dma_wait3A_100 = tpu.memref_slice %arg12[%dma_wait3A_98, %dma_wait3A_99] : memref<10240x64xf32, #tpu.memory_space<vmem_shared>> -> memref<10240x64xf32, #tpu.memory_space<vmem_shared>>
        tpu.wait_indirect_dma semaphore(%run_scoped3A : memref<!tpu.dma_semaphore, #tpu.memory_space<semaphore_mem>>) src(%arg10 : memref<128x64xf32, #tpu.memory_space<vmem>>) dst(%dma_wait3A_100 : memref<10240x64xf32, #tpu.memory_space<vmem_shared>>)
        tpu.yield
      }) : () -> ()
    }
    %scan3A_13 = arith.constant 20 : i32
    %dma_wait3A = arith.constant 0 : i32
    %dma_wait3A_14 = arith.constant 0 : i32
    %dma_wait3A_15 = tpu.memref_slice %arg7[%dma_wait3A, %dma_wait3A_14] : memref<80x128xi32, #tpu.memory_space<vmem>> -> memref<1x128xi32, #tpu.memory_space<vmem>>
    %dma_wait3A_16 = tpu.memref_squeeze %dma_wait3A_15 : memref<1x128xi32, #tpu.memory_space<vmem>> -> memref<128xi32, #tpu.memory_space<vmem>>
    %dma_wait3A_17 = arith.constant 0 : i32
    %dma_wait3A_18 = arith.constant 0 : i32
    %dma_wait3A_19 = tpu.memref_slice %arg11[%dma_wait3A_17, %dma_wait3A_18] : memref<10240x64xf32, #tpu.memory_space<vmem_shared>> -> memref<10240x64xf32, #tpu.memory_space<vmem_shared>>
    tpu.wait_indirect_dma semaphore(%arg13 : memref<!tpu.dma_semaphore, #tpu.memory_space<semaphore_mem>>) src(%dma_wait3A_19 : memref<10240x64xf32, #tpu.memory_space<vmem_shared>>) dst(%arg9 : memref<128x64xf32, #tpu.memory_space<vmem>>)
    %barrier3A_20 = arith.constant 0 : index
    tpu.barrier barrier_id(%barrier3A_20)
    "tpu.region"() ({
      %run_scoped3A = tpu.sem_alloc : memref<!tpu.dma_semaphore, #tpu.memory_space<semaphore_mem>>
      %dma_start3A_21 = arith.constant 0 : i32
      %dma_start3A_22 = tpu.memref_slice %arg6[%arg0, %mul3A_2, %dma_start3A_21] : memref<2x10240x64xf32, #tpu.memory_space<hbm>> -> memref<1x640x64xf32, #tpu.memory_space<hbm>>
      %dma_start3A_23 = tpu.memref_squeeze %dma_start3A_22 : memref<1x640x64xf32, #tpu.memory_space<hbm>> -> memref<640x64xf32, #tpu.memory_space<hbm>>
      %dma_start3A_24 = arith.constant 0 : i32
      %dma_start3A_25 = tpu.memref_slice %arg12[%mul3A_2, %dma_start3A_24] : memref<10240x64xf32, #tpu.memory_space<vmem_shared>> -> memref<640x64xf32, #tpu.memory_space<vmem_shared>>
      tpu.enqueue_dma source(%dma_start3A_25 : memref<640x64xf32, #tpu.memory_space<vmem_shared>>) target(%dma_start3A_23 : memref<640x64xf32, #tpu.memory_space<hbm>>) target_semaphore(%run_scoped3A : memref<!tpu.dma_semaphore, #tpu.memory_space<semaphore_mem>>)
      %dma_wait3A_26 = arith.constant 0 : i32
      %dma_wait3A_27 = tpu.memref_slice %arg6[%arg0, %mul3A_2, %dma_wait3A_26] : memref<2x10240x64xf32, #tpu.memory_space<hbm>> -> memref<1x640x64xf32, #tpu.memory_space<hbm>>
      %dma_wait3A_28 = tpu.memref_squeeze %dma_wait3A_27 : memref<1x640x64xf32, #tpu.memory_space<hbm>> -> memref<640x64xf32, #tpu.memory_space<hbm>>
      %dma_wait3A_29 = arith.constant 0 : i32
      %dma_wait3A_30 = tpu.memref_slice %arg12[%mul3A_2, %dma_wait3A_29] : memref<10240x64xf32, #tpu.memory_space<vmem_shared>> -> memref<640x64xf32, #tpu.memory_space<vmem_shared>>
      tpu.wait_dma2 semaphore(%run_scoped3A : memref<!tpu.dma_semaphore, #tpu.memory_space<semaphore_mem>>) src(%dma_wait3A_30 : memref<640x64xf32, #tpu.memory_space<vmem_shared>>) dst(%dma_wait3A_28 : memref<640x64xf32, #tpu.memory_space<hbm>>)
      tpu.yield
    }) : () -> ()
    return
  }
}

#map = affine_map<(d0, d1) -> (0, 0)>
#map1 = affine_map<(d0, d1) -> (0, 0, 0)>
module attributes {stable_mosaic.version = 14 : i64} {
  func.func @_prop(%arg0: i32, %arg1: i32, %arg2: memref<10240x48xf32, #tpu.memory_space<hbm>>, %arg3: memref<32x80x128xi32, #tpu.memory_space<hbm>>, %arg4: memref<32x80x128xi32, #tpu.memory_space<hbm>>, %arg5: memref<10240x48xf32, #tpu.memory_space<hbm>>, %arg6: memref<2x10240x48xf32, #tpu.memory_space<hbm>>, %arg7: memref<80x128xi32, #tpu.memory_space<vmem>>, %arg8: memref<80x128xi32, #tpu.memory_space<vmem>>, %arg9: memref<128x48xf32, #tpu.memory_space<vmem>>, %arg10: memref<128x48xf32, #tpu.memory_space<vmem>>, %arg11: memref<10240x48xf32, #tpu.memory_space<vmem_shared>>, %arg12: memref<10240x48xf32, #tpu.memory_space<vmem_shared>>, %arg13: memref<!tpu.dma_semaphore, #tpu.memory_space<semaphore_mem>>, %arg14: memref<!tpu.dma_semaphore, #tpu.memory_space<semaphore_mem>>) attributes {dimension_semantics = [#tpu.dimension_semantics<core_parallel>, #tpu.dimension_semantics<subcore_parallel>], iteration_bounds = array<i64: 2, 16>, scalar_prefetch = 0 : i64, scratch_operands = 8 : i64, tpu.core_type = #tpu.core_type<sc_vector_subcore>, window_params = [{transform_indices = #map}, {transform_indices = #map1}, {transform_indices = #map1}, {transform_indices = #map}, {transform_indices = #map1}]} {
    %mul3A = arith.constant 16 : i32
    %mul3A_0 = arith.muli %arg0, %mul3A : i32
    %add3A = arith.addi %mul3A_0, %arg1 : i32
    %mul3A_1 = arith.constant 640 : i32
    %mul3A_2 = arith.muli %arg1, %mul3A_1 : i32
    "tpu.region"() ({
      %run_scoped3A = tpu.sem_alloc : memref<!tpu.dma_semaphore, #tpu.memory_space<semaphore_mem>>
      %dma_start3A_21 = arith.constant 0 : i32
      %dma_start3A_22 = tpu.memref_slice %arg12[%mul3A_2, %dma_start3A_21] : memref<10240x48xf32, #tpu.memory_space<vmem_shared>> -> memref<640x48xf32, #tpu.memory_space<vmem_shared>>
      %dma_start3A_23 = arith.constant 0 : i32
      %dma_start3A_24 = tpu.memref_slice %arg5[%mul3A_2, %dma_start3A_23] : memref<10240x48xf32, #tpu.memory_space<hbm>> -> memref<640x48xf32, #tpu.memory_space<hbm>>
      tpu.enqueue_dma source(%dma_start3A_24 : memref<640x48xf32, #tpu.memory_space<hbm>>) target(%dma_start3A_22 : memref<640x48xf32, #tpu.memory_space<vmem_shared>>) target_semaphore(%run_scoped3A : memref<!tpu.dma_semaphore, #tpu.memory_space<semaphore_mem>>)
      %dma_wait3A_25 = arith.constant 0 : i32
      %dma_wait3A_26 = tpu.memref_slice %arg12[%mul3A_2, %dma_wait3A_25] : memref<10240x48xf32, #tpu.memory_space<vmem_shared>> -> memref<640x48xf32, #tpu.memory_space<vmem_shared>>
      %dma_wait3A_27 = arith.constant 0 : i32
      %dma_wait3A_28 = tpu.memref_slice %arg5[%mul3A_2, %dma_wait3A_27] : memref<10240x48xf32, #tpu.memory_space<hbm>> -> memref<640x48xf32, #tpu.memory_space<hbm>>
      tpu.wait_dma2 semaphore(%run_scoped3A : memref<!tpu.dma_semaphore, #tpu.memory_space<semaphore_mem>>) src(%dma_wait3A_28 : memref<640x48xf32, #tpu.memory_space<hbm>>) dst(%dma_wait3A_26 : memref<640x48xf32, #tpu.memory_space<vmem_shared>>)
      tpu.yield
    }) : () -> ()
    "tpu.region"() ({
      %run_scoped3A = tpu.sem_alloc : memref<!tpu.dma_semaphore, #tpu.memory_space<semaphore_mem>>
      %dma_start3A_21 = arith.constant 0 : i32
      %dma_start3A_22 = tpu.memref_slice %arg11[%mul3A_2, %dma_start3A_21] : memref<10240x48xf32, #tpu.memory_space<vmem_shared>> -> memref<640x48xf32, #tpu.memory_space<vmem_shared>>
      %dma_start3A_23 = arith.constant 0 : i32
      %dma_start3A_24 = tpu.memref_slice %arg2[%mul3A_2, %dma_start3A_23] : memref<10240x48xf32, #tpu.memory_space<hbm>> -> memref<640x48xf32, #tpu.memory_space<hbm>>
      tpu.enqueue_dma source(%dma_start3A_24 : memref<640x48xf32, #tpu.memory_space<hbm>>) target(%dma_start3A_22 : memref<640x48xf32, #tpu.memory_space<vmem_shared>>) target_semaphore(%run_scoped3A : memref<!tpu.dma_semaphore, #tpu.memory_space<semaphore_mem>>)
      %dma_wait3A_25 = arith.constant 0 : i32
      %dma_wait3A_26 = tpu.memref_slice %arg11[%mul3A_2, %dma_wait3A_25] : memref<10240x48xf32, #tpu.memory_space<vmem_shared>> -> memref<640x48xf32, #tpu.memory_space<vmem_shared>>
      %dma_wait3A_27 = arith.constant 0 : i32
      %dma_wait3A_28 = tpu.memref_slice %arg2[%mul3A_2, %dma_wait3A_27] : memref<10240x48xf32, #tpu.memory_space<hbm>> -> memref<640x48xf32, #tpu.memory_space<hbm>>
      tpu.wait_dma2 semaphore(%run_scoped3A : memref<!tpu.dma_semaphore, #tpu.memory_space<semaphore_mem>>) src(%dma_wait3A_28 : memref<640x48xf32, #tpu.memory_space<hbm>>) dst(%dma_wait3A_26 : memref<640x48xf32, #tpu.memory_space<vmem_shared>>)
      tpu.yield
    }) : () -> ()
    "tpu.region"() ({
      %run_scoped3A = tpu.sem_alloc : memref<!tpu.dma_semaphore, #tpu.memory_space<semaphore_mem>>
      %dma_start3A_21 = arith.constant 0 : i32
      %dma_start3A_22 = arith.constant 0 : i32
      %dma_start3A_23 = tpu.memref_slice %arg3[%add3A, %dma_start3A_21, %dma_start3A_22] : memref<32x80x128xi32, #tpu.memory_space<hbm>> -> memref<1x80x128xi32, #tpu.memory_space<hbm>>
      %dma_start3A_24 = tpu.memref_squeeze %dma_start3A_23 : memref<1x80x128xi32, #tpu.memory_space<hbm>> -> memref<80x128xi32, #tpu.memory_space<hbm>>
      %dma_start3A_25 = arith.constant 0 : i32
      %dma_start3A_26 = arith.constant 0 : i32
      %dma_start3A_27 = tpu.memref_slice %arg3[%add3A, %dma_start3A_25, %dma_start3A_26] : memref<32x80x128xi32, #tpu.memory_space<hbm>> -> memref<1x80x128xi32, #tpu.memory_space<hbm>>
      %dma_start3A_28 = tpu.memref_squeeze %dma_start3A_27 : memref<1x80x128xi32, #tpu.memory_space<hbm>> -> memref<80x128xi32, #tpu.memory_space<hbm>>
      tpu.enqueue_dma source(%dma_start3A_28 : memref<80x128xi32, #tpu.memory_space<hbm>>) target(%arg7 : memref<80x128xi32, #tpu.memory_space<vmem>>) target_semaphore(%run_scoped3A : memref<!tpu.dma_semaphore, #tpu.memory_space<semaphore_mem>>)
      %dma_wait3A_29 = arith.constant 0 : i32
      %dma_wait3A_30 = arith.constant 0 : i32
      %dma_wait3A_31 = tpu.memref_slice %arg3[%add3A, %dma_wait3A_29, %dma_wait3A_30] : memref<32x80x128xi32, #tpu.memory_space<hbm>> -> memref<1x80x128xi32, #tpu.memory_space<hbm>>
      %dma_wait3A_32 = tpu.memref_squeeze %dma_wait3A_31 : memref<1x80x128xi32, #tpu.memory_space<hbm>> -> memref<80x128xi32, #tpu.memory_space<hbm>>
      %dma_wait3A_33 = arith.constant 0 : i32
      %dma_wait3A_34 = arith.constant 0 : i32
      %dma_wait3A_35 = tpu.memref_slice %arg3[%add3A, %dma_wait3A_33, %dma_wait3A_34] : memref<32x80x128xi32, #tpu.memory_space<hbm>> -> memref<1x80x128xi32, #tpu.memory_space<hbm>>
      %dma_wait3A_36 = tpu.memref_squeeze %dma_wait3A_35 : memref<1x80x128xi32, #tpu.memory_space<hbm>> -> memref<80x128xi32, #tpu.memory_space<hbm>>
      tpu.wait_dma2 semaphore(%run_scoped3A : memref<!tpu.dma_semaphore, #tpu.memory_space<semaphore_mem>>) src(%dma_wait3A_36 : memref<80x128xi32, #tpu.memory_space<hbm>>) dst(%arg7 : memref<80x128xi32, #tpu.memory_space<vmem>>)
      tpu.yield
    }) : () -> ()
    "tpu.region"() ({
      %run_scoped3A = tpu.sem_alloc : memref<!tpu.dma_semaphore, #tpu.memory_space<semaphore_mem>>
      %dma_start3A_21 = arith.constant 0 : i32
      %dma_start3A_22 = arith.constant 0 : i32
      %dma_start3A_23 = tpu.memref_slice %arg4[%add3A, %dma_start3A_21, %dma_start3A_22] : memref<32x80x128xi32, #tpu.memory_space<hbm>> -> memref<1x80x128xi32, #tpu.memory_space<hbm>>
      %dma_start3A_24 = tpu.memref_squeeze %dma_start3A_23 : memref<1x80x128xi32, #tpu.memory_space<hbm>> -> memref<80x128xi32, #tpu.memory_space<hbm>>
      %dma_start3A_25 = arith.constant 0 : i32
      %dma_start3A_26 = arith.constant 0 : i32
      %dma_start3A_27 = tpu.memref_slice %arg4[%add3A, %dma_start3A_25, %dma_start3A_26] : memref<32x80x128xi32, #tpu.memory_space<hbm>> -> memref<1x80x128xi32, #tpu.memory_space<hbm>>
      %dma_start3A_28 = tpu.memref_squeeze %dma_start3A_27 : memref<1x80x128xi32, #tpu.memory_space<hbm>> -> memref<80x128xi32, #tpu.memory_space<hbm>>
      tpu.enqueue_dma source(%dma_start3A_28 : memref<80x128xi32, #tpu.memory_space<hbm>>) target(%arg8 : memref<80x128xi32, #tpu.memory_space<vmem>>) target_semaphore(%run_scoped3A : memref<!tpu.dma_semaphore, #tpu.memory_space<semaphore_mem>>)
      %dma_wait3A_29 = arith.constant 0 : i32
      %dma_wait3A_30 = arith.constant 0 : i32
      %dma_wait3A_31 = tpu.memref_slice %arg4[%add3A, %dma_wait3A_29, %dma_wait3A_30] : memref<32x80x128xi32, #tpu.memory_space<hbm>> -> memref<1x80x128xi32, #tpu.memory_space<hbm>>
      %dma_wait3A_32 = tpu.memref_squeeze %dma_wait3A_31 : memref<1x80x128xi32, #tpu.memory_space<hbm>> -> memref<80x128xi32, #tpu.memory_space<hbm>>
      %dma_wait3A_33 = arith.constant 0 : i32
      %dma_wait3A_34 = arith.constant 0 : i32
      %dma_wait3A_35 = tpu.memref_slice %arg4[%add3A, %dma_wait3A_33, %dma_wait3A_34] : memref<32x80x128xi32, #tpu.memory_space<hbm>> -> memref<1x80x128xi32, #tpu.memory_space<hbm>>
      %dma_wait3A_36 = tpu.memref_squeeze %dma_wait3A_35 : memref<1x80x128xi32, #tpu.memory_space<hbm>> -> memref<80x128xi32, #tpu.memory_space<hbm>>
      tpu.wait_dma2 semaphore(%run_scoped3A : memref<!tpu.dma_semaphore, #tpu.memory_space<semaphore_mem>>) src(%dma_wait3A_36 : memref<80x128xi32, #tpu.memory_space<hbm>>) dst(%arg8 : memref<80x128xi32, #tpu.memory_space<vmem>>)
      tpu.yield
    }) : () -> ()
    %barrier3A = arith.constant 0 : index
    tpu.barrier barrier_id(%barrier3A)
    %dma_start3A = arith.constant 0 : i32
    %dma_start3A_3 = arith.constant 0 : i32
    %dma_start3A_4 = tpu.memref_slice %arg7[%dma_start3A, %dma_start3A_3] : memref<80x128xi32, #tpu.memory_space<vmem>> -> memref<1x128xi32, #tpu.memory_space<vmem>>
    %dma_start3A_5 = tpu.memref_squeeze %dma_start3A_4 : memref<1x128xi32, #tpu.memory_space<vmem>> -> memref<128xi32, #tpu.memory_space<vmem>>
    %dma_start3A_6 = arith.constant 0 : i32
    %dma_start3A_7 = arith.constant 0 : i32
    %dma_start3A_8 = tpu.memref_slice %arg11[%dma_start3A_6, %dma_start3A_7] : memref<10240x48xf32, #tpu.memory_space<vmem_shared>> -> memref<10240x48xf32, #tpu.memory_space<vmem_shared>>
    tpu.enqueue_indirect_dma source(%dma_start3A_8 : memref<10240x48xf32, #tpu.memory_space<vmem_shared>>) target(%arg9 : memref<128x48xf32, #tpu.memory_space<vmem>>) offsets(%dma_start3A_5 : memref<128xi32, #tpu.memory_space<vmem>>) semaphore(%arg13 : memref<!tpu.dma_semaphore, #tpu.memory_space<semaphore_mem>>)
    %scan3A = arith.constant 0 : i32
    %scan3A_9 = arith.constant 0 : i32
    %scan3A_10 = arith.constant 20 : i32
    %scan3A_11 = arith.addi %scan3A_9, %scan3A_10 : i32
    %scan3A_12 = arith.constant 1 : i32
    scf.for %scan3A_21 = %scan3A_9 to %scan3A_11 step %scan3A_12  : i32 {
      %mul3A_22 = arith.constant 4 : i32
      %mul3A_23 = arith.muli %mul3A_22, %scan3A_21 : i32
      %add3A_24 = arith.constant 0 : i32
      %add3A_25 = arith.addi %mul3A_23, %add3A_24 : i32
      %add3A_26 = arith.constant 1 : i32
      %add3A_27 = arith.addi %add3A_25, %add3A_26 : i32
      %dma_start3A_28 = arith.constant 0 : i32
      %dma_start3A_29 = tpu.memref_slice %arg7[%add3A_27, %dma_start3A_28] : memref<80x128xi32, #tpu.memory_space<vmem>> -> memref<1x128xi32, #tpu.memory_space<vmem>>
      %dma_start3A_30 = tpu.memref_squeeze %dma_start3A_29 : memref<1x128xi32, #tpu.memory_space<vmem>> -> memref<128xi32, #tpu.memory_space<vmem>>
      %dma_start3A_31 = arith.constant 0 : i32
      %dma_start3A_32 = arith.constant 0 : i32
      %dma_start3A_33 = tpu.memref_slice %arg11[%dma_start3A_31, %dma_start3A_32] : memref<10240x48xf32, #tpu.memory_space<vmem_shared>> -> memref<10240x48xf32, #tpu.memory_space<vmem_shared>>
      tpu.enqueue_indirect_dma source(%dma_start3A_33 : memref<10240x48xf32, #tpu.memory_space<vmem_shared>>) target(%arg10 : memref<128x48xf32, #tpu.memory_space<vmem>>) offsets(%dma_start3A_30 : memref<128xi32, #tpu.memory_space<vmem>>) semaphore(%arg14 : memref<!tpu.dma_semaphore, #tpu.memory_space<semaphore_mem>>)
      %dma_wait3A_34 = arith.constant 0 : i32
      %dma_wait3A_35 = tpu.memref_slice %arg7[%add3A_25, %dma_wait3A_34] : memref<80x128xi32, #tpu.memory_space<vmem>> -> memref<1x128xi32, #tpu.memory_space<vmem>>
      %dma_wait3A_36 = tpu.memref_squeeze %dma_wait3A_35 : memref<1x128xi32, #tpu.memory_space<vmem>> -> memref<128xi32, #tpu.memory_space<vmem>>
      %dma_wait3A_37 = arith.constant 0 : i32
      %dma_wait3A_38 = arith.constant 0 : i32
      %dma_wait3A_39 = tpu.memref_slice %arg11[%dma_wait3A_37, %dma_wait3A_38] : memref<10240x48xf32, #tpu.memory_space<vmem_shared>> -> memref<10240x48xf32, #tpu.memory_space<vmem_shared>>
      tpu.wait_indirect_dma semaphore(%arg13 : memref<!tpu.dma_semaphore, #tpu.memory_space<semaphore_mem>>) src(%dma_wait3A_39 : memref<10240x48xf32, #tpu.memory_space<vmem_shared>>) dst(%arg9 : memref<128x48xf32, #tpu.memory_space<vmem>>)
      "tpu.region"() ({
        %run_scoped3A = tpu.sem_alloc : memref<!tpu.dma_semaphore, #tpu.memory_space<semaphore_mem>>
        %dma_start3A_89 = arith.constant 0 : i32
        %dma_start3A_90 = tpu.memref_slice %arg8[%add3A_25, %dma_start3A_89] : memref<80x128xi32, #tpu.memory_space<vmem>> -> memref<1x128xi32, #tpu.memory_space<vmem>>
        %dma_start3A_91 = tpu.memref_squeeze %dma_start3A_90 : memref<1x128xi32, #tpu.memory_space<vmem>> -> memref<128xi32, #tpu.memory_space<vmem>>
        %dma_start3A_92 = arith.constant 0 : i32
        %dma_start3A_93 = arith.constant 0 : i32
        %dma_start3A_94 = tpu.memref_slice %arg12[%dma_start3A_92, %dma_start3A_93] : memref<10240x48xf32, #tpu.memory_space<vmem_shared>> -> memref<10240x48xf32, #tpu.memory_space<vmem_shared>>
        tpu.enqueue_indirect_dma source(%arg9 : memref<128x48xf32, #tpu.memory_space<vmem>>) target(%dma_start3A_94 : memref<10240x48xf32, #tpu.memory_space<vmem_shared>>) offsets(%dma_start3A_91 : memref<128xi32, #tpu.memory_space<vmem>>) semaphore(%run_scoped3A : memref<!tpu.dma_semaphore, #tpu.memory_space<semaphore_mem>>) {add = true}
        %dma_wait3A_95 = arith.constant 0 : i32
        %dma_wait3A_96 = tpu.memref_slice %arg8[%add3A_25, %dma_wait3A_95] : memref<80x128xi32, #tpu.memory_space<vmem>> -> memref<1x128xi32, #tpu.memory_space<vmem>>
        %dma_wait3A_97 = tpu.memref_squeeze %dma_wait3A_96 : memref<1x128xi32, #tpu.memory_space<vmem>> -> memref<128xi32, #tpu.memory_space<vmem>>
        %dma_wait3A_98 = arith.constant 0 : i32
        %dma_wait3A_99 = arith.constant 0 : i32
        %dma_wait3A_100 = tpu.memref_slice %arg12[%dma_wait3A_98, %dma_wait3A_99] : memref<10240x48xf32, #tpu.memory_space<vmem_shared>> -> memref<10240x48xf32, #tpu.memory_space<vmem_shared>>
        tpu.wait_indirect_dma semaphore(%run_scoped3A : memref<!tpu.dma_semaphore, #tpu.memory_space<semaphore_mem>>) src(%arg9 : memref<128x48xf32, #tpu.memory_space<vmem>>) dst(%dma_wait3A_100 : memref<10240x48xf32, #tpu.memory_space<vmem_shared>>)
        tpu.yield
      }) : () -> ()
      %add3A_40 = arith.constant 1 : i32
      %add3A_41 = arith.addi %mul3A_23, %add3A_40 : i32
      %add3A_42 = arith.constant 1 : i32
      %add3A_43 = arith.addi %add3A_41, %add3A_42 : i32
      %dma_start3A_44 = arith.constant 0 : i32
      %dma_start3A_45 = tpu.memref_slice %arg7[%add3A_43, %dma_start3A_44] : memref<80x128xi32, #tpu.memory_space<vmem>> -> memref<1x128xi32, #tpu.memory_space<vmem>>
      %dma_start3A_46 = tpu.memref_squeeze %dma_start3A_45 : memref<1x128xi32, #tpu.memory_space<vmem>> -> memref<128xi32, #tpu.memory_space<vmem>>
      %dma_start3A_47 = arith.constant 0 : i32
      %dma_start3A_48 = arith.constant 0 : i32
      %dma_start3A_49 = tpu.memref_slice %arg11[%dma_start3A_47, %dma_start3A_48] : memref<10240x48xf32, #tpu.memory_space<vmem_shared>> -> memref<10240x48xf32, #tpu.memory_space<vmem_shared>>
      tpu.enqueue_indirect_dma source(%dma_start3A_49 : memref<10240x48xf32, #tpu.memory_space<vmem_shared>>) target(%arg9 : memref<128x48xf32, #tpu.memory_space<vmem>>) offsets(%dma_start3A_46 : memref<128xi32, #tpu.memory_space<vmem>>) semaphore(%arg13 : memref<!tpu.dma_semaphore, #tpu.memory_space<semaphore_mem>>)
      %dma_wait3A_50 = arith.constant 0 : i32
      %dma_wait3A_51 = tpu.memref_slice %arg7[%add3A_41, %dma_wait3A_50] : memref<80x128xi32, #tpu.memory_space<vmem>> -> memref<1x128xi32, #tpu.memory_space<vmem>>
      %dma_wait3A_52 = tpu.memref_squeeze %dma_wait3A_51 : memref<1x128xi32, #tpu.memory_space<vmem>> -> memref<128xi32, #tpu.memory_space<vmem>>
      %dma_wait3A_53 = arith.constant 0 : i32
      %dma_wait3A_54 = arith.constant 0 : i32
      %dma_wait3A_55 = tpu.memref_slice %arg11[%dma_wait3A_53, %dma_wait3A_54] : memref<10240x48xf32, #tpu.memory_space<vmem_shared>> -> memref<10240x48xf32, #tpu.memory_space<vmem_shared>>
      tpu.wait_indirect_dma semaphore(%arg14 : memref<!tpu.dma_semaphore, #tpu.memory_space<semaphore_mem>>) src(%dma_wait3A_55 : memref<10240x48xf32, #tpu.memory_space<vmem_shared>>) dst(%arg10 : memref<128x48xf32, #tpu.memory_space<vmem>>)
      "tpu.region"() ({
        %run_scoped3A = tpu.sem_alloc : memref<!tpu.dma_semaphore, #tpu.memory_space<semaphore_mem>>
        %dma_start3A_89 = arith.constant 0 : i32
        %dma_start3A_90 = tpu.memref_slice %arg8[%add3A_41, %dma_start3A_89] : memref<80x128xi32, #tpu.memory_space<vmem>> -> memref<1x128xi32, #tpu.memory_space<vmem>>
        %dma_start3A_91 = tpu.memref_squeeze %dma_start3A_90 : memref<1x128xi32, #tpu.memory_space<vmem>> -> memref<128xi32, #tpu.memory_space<vmem>>
        %dma_start3A_92 = arith.constant 0 : i32
        %dma_start3A_93 = arith.constant 0 : i32
        %dma_start3A_94 = tpu.memref_slice %arg12[%dma_start3A_92, %dma_start3A_93] : memref<10240x48xf32, #tpu.memory_space<vmem_shared>> -> memref<10240x48xf32, #tpu.memory_space<vmem_shared>>
        tpu.enqueue_indirect_dma source(%arg10 : memref<128x48xf32, #tpu.memory_space<vmem>>) target(%dma_start3A_94 : memref<10240x48xf32, #tpu.memory_space<vmem_shared>>) offsets(%dma_start3A_91 : memref<128xi32, #tpu.memory_space<vmem>>) semaphore(%run_scoped3A : memref<!tpu.dma_semaphore, #tpu.memory_space<semaphore_mem>>) {add = true}
        %dma_wait3A_95 = arith.constant 0 : i32
        %dma_wait3A_96 = tpu.memref_slice %arg8[%add3A_41, %dma_wait3A_95] : memref<80x128xi32, #tpu.memory_space<vmem>> -> memref<1x128xi32, #tpu.memory_space<vmem>>
        %dma_wait3A_97 = tpu.memref_squeeze %dma_wait3A_96 : memref<1x128xi32, #tpu.memory_space<vmem>> -> memref<128xi32, #tpu.memory_space<vmem>>
        %dma_wait3A_98 = arith.constant 0 : i32
        %dma_wait3A_99 = arith.constant 0 : i32
        %dma_wait3A_100 = tpu.memref_slice %arg12[%dma_wait3A_98, %dma_wait3A_99] : memref<10240x48xf32, #tpu.memory_space<vmem_shared>> -> memref<10240x48xf32, #tpu.memory_space<vmem_shared>>
        tpu.wait_indirect_dma semaphore(%run_scoped3A : memref<!tpu.dma_semaphore, #tpu.memory_space<semaphore_mem>>) src(%arg10 : memref<128x48xf32, #tpu.memory_space<vmem>>) dst(%dma_wait3A_100 : memref<10240x48xf32, #tpu.memory_space<vmem_shared>>)
        tpu.yield
      }) : () -> ()
      %add3A_56 = arith.constant 2 : i32
      %add3A_57 = arith.addi %mul3A_23, %add3A_56 : i32
      %add3A_58 = arith.constant 1 : i32
      %add3A_59 = arith.addi %add3A_57, %add3A_58 : i32
      %dma_start3A_60 = arith.constant 0 : i32
      %dma_start3A_61 = tpu.memref_slice %arg7[%add3A_59, %dma_start3A_60] : memref<80x128xi32, #tpu.memory_space<vmem>> -> memref<1x128xi32, #tpu.memory_space<vmem>>
      %dma_start3A_62 = tpu.memref_squeeze %dma_start3A_61 : memref<1x128xi32, #tpu.memory_space<vmem>> -> memref<128xi32, #tpu.memory_space<vmem>>
      %dma_start3A_63 = arith.constant 0 : i32
      %dma_start3A_64 = arith.constant 0 : i32
      %dma_start3A_65 = tpu.memref_slice %arg11[%dma_start3A_63, %dma_start3A_64] : memref<10240x48xf32, #tpu.memory_space<vmem_shared>> -> memref<10240x48xf32, #tpu.memory_space<vmem_shared>>
      tpu.enqueue_indirect_dma source(%dma_start3A_65 : memref<10240x48xf32, #tpu.memory_space<vmem_shared>>) target(%arg10 : memref<128x48xf32, #tpu.memory_space<vmem>>) offsets(%dma_start3A_62 : memref<128xi32, #tpu.memory_space<vmem>>) semaphore(%arg14 : memref<!tpu.dma_semaphore, #tpu.memory_space<semaphore_mem>>)
      %dma_wait3A_66 = arith.constant 0 : i32
      %dma_wait3A_67 = tpu.memref_slice %arg7[%add3A_57, %dma_wait3A_66] : memref<80x128xi32, #tpu.memory_space<vmem>> -> memref<1x128xi32, #tpu.memory_space<vmem>>
      %dma_wait3A_68 = tpu.memref_squeeze %dma_wait3A_67 : memref<1x128xi32, #tpu.memory_space<vmem>> -> memref<128xi32, #tpu.memory_space<vmem>>
      %dma_wait3A_69 = arith.constant 0 : i32
      %dma_wait3A_70 = arith.constant 0 : i32
      %dma_wait3A_71 = tpu.memref_slice %arg11[%dma_wait3A_69, %dma_wait3A_70] : memref<10240x48xf32, #tpu.memory_space<vmem_shared>> -> memref<10240x48xf32, #tpu.memory_space<vmem_shared>>
      tpu.wait_indirect_dma semaphore(%arg13 : memref<!tpu.dma_semaphore, #tpu.memory_space<semaphore_mem>>) src(%dma_wait3A_71 : memref<10240x48xf32, #tpu.memory_space<vmem_shared>>) dst(%arg9 : memref<128x48xf32, #tpu.memory_space<vmem>>)
      "tpu.region"() ({
        %run_scoped3A = tpu.sem_alloc : memref<!tpu.dma_semaphore, #tpu.memory_space<semaphore_mem>>
        %dma_start3A_89 = arith.constant 0 : i32
        %dma_start3A_90 = tpu.memref_slice %arg8[%add3A_57, %dma_start3A_89] : memref<80x128xi32, #tpu.memory_space<vmem>> -> memref<1x128xi32, #tpu.memory_space<vmem>>
        %dma_start3A_91 = tpu.memref_squeeze %dma_start3A_90 : memref<1x128xi32, #tpu.memory_space<vmem>> -> memref<128xi32, #tpu.memory_space<vmem>>
        %dma_start3A_92 = arith.constant 0 : i32
        %dma_start3A_93 = arith.constant 0 : i32
        %dma_start3A_94 = tpu.memref_slice %arg12[%dma_start3A_92, %dma_start3A_93] : memref<10240x48xf32, #tpu.memory_space<vmem_shared>> -> memref<10240x48xf32, #tpu.memory_space<vmem_shared>>
        tpu.enqueue_indirect_dma source(%arg9 : memref<128x48xf32, #tpu.memory_space<vmem>>) target(%dma_start3A_94 : memref<10240x48xf32, #tpu.memory_space<vmem_shared>>) offsets(%dma_start3A_91 : memref<128xi32, #tpu.memory_space<vmem>>) semaphore(%run_scoped3A : memref<!tpu.dma_semaphore, #tpu.memory_space<semaphore_mem>>) {add = true}
        %dma_wait3A_95 = arith.constant 0 : i32
        %dma_wait3A_96 = tpu.memref_slice %arg8[%add3A_57, %dma_wait3A_95] : memref<80x128xi32, #tpu.memory_space<vmem>> -> memref<1x128xi32, #tpu.memory_space<vmem>>
        %dma_wait3A_97 = tpu.memref_squeeze %dma_wait3A_96 : memref<1x128xi32, #tpu.memory_space<vmem>> -> memref<128xi32, #tpu.memory_space<vmem>>
        %dma_wait3A_98 = arith.constant 0 : i32
        %dma_wait3A_99 = arith.constant 0 : i32
        %dma_wait3A_100 = tpu.memref_slice %arg12[%dma_wait3A_98, %dma_wait3A_99] : memref<10240x48xf32, #tpu.memory_space<vmem_shared>> -> memref<10240x48xf32, #tpu.memory_space<vmem_shared>>
        tpu.wait_indirect_dma semaphore(%run_scoped3A : memref<!tpu.dma_semaphore, #tpu.memory_space<semaphore_mem>>) src(%arg9 : memref<128x48xf32, #tpu.memory_space<vmem>>) dst(%dma_wait3A_100 : memref<10240x48xf32, #tpu.memory_space<vmem_shared>>)
        tpu.yield
      }) : () -> ()
      %add3A_72 = arith.constant 3 : i32
      %add3A_73 = arith.addi %mul3A_23, %add3A_72 : i32
      %add3A_74 = arith.constant 1 : i32
      %add3A_75 = arith.addi %add3A_73, %add3A_74 : i32
      %min3A = arith.constant 79 : i32
      %min3A_76 = arith.minsi %add3A_75, %min3A : i32
      %dma_start3A_77 = arith.constant 0 : i32
      %dma_start3A_78 = tpu.memref_slice %arg7[%min3A_76, %dma_start3A_77] : memref<80x128xi32, #tpu.memory_space<vmem>> -> memref<1x128xi32, #tpu.memory_space<vmem>>
      %dma_start3A_79 = tpu.memref_squeeze %dma_start3A_78 : memref<1x128xi32, #tpu.memory_space<vmem>> -> memref<128xi32, #tpu.memory_space<vmem>>
      %dma_start3A_80 = arith.constant 0 : i32
      %dma_start3A_81 = arith.constant 0 : i32
      %dma_start3A_82 = tpu.memref_slice %arg11[%dma_start3A_80, %dma_start3A_81] : memref<10240x48xf32, #tpu.memory_space<vmem_shared>> -> memref<10240x48xf32, #tpu.memory_space<vmem_shared>>
      tpu.enqueue_indirect_dma source(%dma_start3A_82 : memref<10240x48xf32, #tpu.memory_space<vmem_shared>>) target(%arg9 : memref<128x48xf32, #tpu.memory_space<vmem>>) offsets(%dma_start3A_79 : memref<128xi32, #tpu.memory_space<vmem>>) semaphore(%arg13 : memref<!tpu.dma_semaphore, #tpu.memory_space<semaphore_mem>>)
      %dma_wait3A_83 = arith.constant 0 : i32
      %dma_wait3A_84 = tpu.memref_slice %arg7[%add3A_73, %dma_wait3A_83] : memref<80x128xi32, #tpu.memory_space<vmem>> -> memref<1x128xi32, #tpu.memory_space<vmem>>
      %dma_wait3A_85 = tpu.memref_squeeze %dma_wait3A_84 : memref<1x128xi32, #tpu.memory_space<vmem>> -> memref<128xi32, #tpu.memory_space<vmem>>
      %dma_wait3A_86 = arith.constant 0 : i32
      %dma_wait3A_87 = arith.constant 0 : i32
      %dma_wait3A_88 = tpu.memref_slice %arg11[%dma_wait3A_86, %dma_wait3A_87] : memref<10240x48xf32, #tpu.memory_space<vmem_shared>> -> memref<10240x48xf32, #tpu.memory_space<vmem_shared>>
      tpu.wait_indirect_dma semaphore(%arg14 : memref<!tpu.dma_semaphore, #tpu.memory_space<semaphore_mem>>) src(%dma_wait3A_88 : memref<10240x48xf32, #tpu.memory_space<vmem_shared>>) dst(%arg10 : memref<128x48xf32, #tpu.memory_space<vmem>>)
      "tpu.region"() ({
        %run_scoped3A = tpu.sem_alloc : memref<!tpu.dma_semaphore, #tpu.memory_space<semaphore_mem>>
        %dma_start3A_89 = arith.constant 0 : i32
        %dma_start3A_90 = tpu.memref_slice %arg8[%add3A_73, %dma_start3A_89] : memref<80x128xi32, #tpu.memory_space<vmem>> -> memref<1x128xi32, #tpu.memory_space<vmem>>
        %dma_start3A_91 = tpu.memref_squeeze %dma_start3A_90 : memref<1x128xi32, #tpu.memory_space<vmem>> -> memref<128xi32, #tpu.memory_space<vmem>>
        %dma_start3A_92 = arith.constant 0 : i32
        %dma_start3A_93 = arith.constant 0 : i32
        %dma_start3A_94 = tpu.memref_slice %arg12[%dma_start3A_92, %dma_start3A_93] : memref<10240x48xf32, #tpu.memory_space<vmem_shared>> -> memref<10240x48xf32, #tpu.memory_space<vmem_shared>>
        tpu.enqueue_indirect_dma source(%arg10 : memref<128x48xf32, #tpu.memory_space<vmem>>) target(%dma_start3A_94 : memref<10240x48xf32, #tpu.memory_space<vmem_shared>>) offsets(%dma_start3A_91 : memref<128xi32, #tpu.memory_space<vmem>>) semaphore(%run_scoped3A : memref<!tpu.dma_semaphore, #tpu.memory_space<semaphore_mem>>) {add = true}
        %dma_wait3A_95 = arith.constant 0 : i32
        %dma_wait3A_96 = tpu.memref_slice %arg8[%add3A_73, %dma_wait3A_95] : memref<80x128xi32, #tpu.memory_space<vmem>> -> memref<1x128xi32, #tpu.memory_space<vmem>>
        %dma_wait3A_97 = tpu.memref_squeeze %dma_wait3A_96 : memref<1x128xi32, #tpu.memory_space<vmem>> -> memref<128xi32, #tpu.memory_space<vmem>>
        %dma_wait3A_98 = arith.constant 0 : i32
        %dma_wait3A_99 = arith.constant 0 : i32
        %dma_wait3A_100 = tpu.memref_slice %arg12[%dma_wait3A_98, %dma_wait3A_99] : memref<10240x48xf32, #tpu.memory_space<vmem_shared>> -> memref<10240x48xf32, #tpu.memory_space<vmem_shared>>
        tpu.wait_indirect_dma semaphore(%run_scoped3A : memref<!tpu.dma_semaphore, #tpu.memory_space<semaphore_mem>>) src(%arg10 : memref<128x48xf32, #tpu.memory_space<vmem>>) dst(%dma_wait3A_100 : memref<10240x48xf32, #tpu.memory_space<vmem_shared>>)
        tpu.yield
      }) : () -> ()
    }
    %scan3A_13 = arith.constant 20 : i32
    %dma_wait3A = arith.constant 0 : i32
    %dma_wait3A_14 = arith.constant 0 : i32
    %dma_wait3A_15 = tpu.memref_slice %arg7[%dma_wait3A, %dma_wait3A_14] : memref<80x128xi32, #tpu.memory_space<vmem>> -> memref<1x128xi32, #tpu.memory_space<vmem>>
    %dma_wait3A_16 = tpu.memref_squeeze %dma_wait3A_15 : memref<1x128xi32, #tpu.memory_space<vmem>> -> memref<128xi32, #tpu.memory_space<vmem>>
    %dma_wait3A_17 = arith.constant 0 : i32
    %dma_wait3A_18 = arith.constant 0 : i32
    %dma_wait3A_19 = tpu.memref_slice %arg11[%dma_wait3A_17, %dma_wait3A_18] : memref<10240x48xf32, #tpu.memory_space<vmem_shared>> -> memref<10240x48xf32, #tpu.memory_space<vmem_shared>>
    tpu.wait_indirect_dma semaphore(%arg13 : memref<!tpu.dma_semaphore, #tpu.memory_space<semaphore_mem>>) src(%dma_wait3A_19 : memref<10240x48xf32, #tpu.memory_space<vmem_shared>>) dst(%arg9 : memref<128x48xf32, #tpu.memory_space<vmem>>)
    %barrier3A_20 = arith.constant 0 : index
    tpu.barrier barrier_id(%barrier3A_20)
    "tpu.region"() ({
      %run_scoped3A = tpu.sem_alloc : memref<!tpu.dma_semaphore, #tpu.memory_space<semaphore_mem>>
      %dma_start3A_21 = arith.constant 0 : i32
      %dma_start3A_22 = tpu.memref_slice %arg6[%arg0, %mul3A_2, %dma_start3A_21] : memref<2x10240x48xf32, #tpu.memory_space<hbm>> -> memref<1x640x48xf32, #tpu.memory_space<hbm>>
      %dma_start3A_23 = tpu.memref_squeeze %dma_start3A_22 : memref<1x640x48xf32, #tpu.memory_space<hbm>> -> memref<640x48xf32, #tpu.memory_space<hbm>>
      %dma_start3A_24 = arith.constant 0 : i32
      %dma_start3A_25 = tpu.memref_slice %arg12[%mul3A_2, %dma_start3A_24] : memref<10240x48xf32, #tpu.memory_space<vmem_shared>> -> memref<640x48xf32, #tpu.memory_space<vmem_shared>>
      tpu.enqueue_dma source(%dma_start3A_25 : memref<640x48xf32, #tpu.memory_space<vmem_shared>>) target(%dma_start3A_23 : memref<640x48xf32, #tpu.memory_space<hbm>>) target_semaphore(%run_scoped3A : memref<!tpu.dma_semaphore, #tpu.memory_space<semaphore_mem>>)
      %dma_wait3A_26 = arith.constant 0 : i32
      %dma_wait3A_27 = tpu.memref_slice %arg6[%arg0, %mul3A_2, %dma_wait3A_26] : memref<2x10240x48xf32, #tpu.memory_space<hbm>> -> memref<1x640x48xf32, #tpu.memory_space<hbm>>
      %dma_wait3A_28 = tpu.memref_squeeze %dma_wait3A_27 : memref<1x640x48xf32, #tpu.memory_space<hbm>> -> memref<640x48xf32, #tpu.memory_space<hbm>>
      %dma_wait3A_29 = arith.constant 0 : i32
      %dma_wait3A_30 = tpu.memref_slice %arg12[%mul3A_2, %dma_wait3A_29] : memref<10240x48xf32, #tpu.memory_space<vmem_shared>> -> memref<640x48xf32, #tpu.memory_space<vmem_shared>>
      tpu.wait_dma2 semaphore(%run_scoped3A : memref<!tpu.dma_semaphore, #tpu.memory_space<semaphore_mem>>) src(%dma_wait3A_30 : memref<640x48xf32, #tpu.memory_space<vmem_shared>>) dst(%dma_wait3A_28 : memref<640x48xf32, #tpu.memory_space<hbm>>)
      tpu.yield
    }) : () -> ()
    return
  }
}

module attributes {stable_mosaic.version = 14 : i64} {
  func.func @_tc1_body(%arg0: memref<10240x128xf32, #tpu.memory_space<vmem>>, %arg1: memref<128x64xf32, #tpu.memory_space<vmem>>, %arg2: memref<32x10240xf32, #tpu.memory_space<vmem>>, %arg3: memref<10240x64xf32, #tpu.memory_space<vmem>>, %arg4: memref<10240x1xf32, #tpu.memory_space<vmem>>) attributes {dimension_semantics = [], scalar_prefetch = 0 : i64, scratch_operands = 0 : i64, tpu.core_type = #tpu.core_type<tc>} {
    %broadcast_in_dim3A = arith.constant 1.000000e+00 : f32
    %broadcast_in_dim3A_0 = vector.broadcast %broadcast_in_dim3A : f32 to vector<32x1xf32>
    %get3A = arith.constant 0 : index
    %get3A_1 = arith.constant 0 : index
    %get3A_2 = vector.load %arg2[%get3A, %get3A_1] : memref<32x10240xf32, #tpu.memory_space<vmem>>, vector<32x10240xf32>
    %dot_general3A = arith.constant dense<0.000000e+00> : vector<10240x1xf32>
    %dot_general3A_3 = tpu.matmul %get3A_2, %broadcast_in_dim3A_0, %dot_general3A {dimension_numbers = #tpu.dot_dimension_numbers<[0], [0], [1], [1], [0, 1, 1, 1], [], []>, transpose_lhs_hint = false} : vector<32x10240xf32>, vector<32x1xf32>, vector<10240x1xf32> -> vector<10240x1xf32>
    %add3A = arith.constant 1.000000e+00 : f32
    %add3A_4 = vector.broadcast %add3A : f32 to vector<10240x1xf32>
    %add3A_5 = arith.addf %dot_general3A_3, %add3A_4 : vector<10240x1xf32>
    %rsqrt3A = math.rsqrt %add3A_5 : vector<10240x1xf32>
    %get3A_6 = arith.constant 0 : index
    %get3A_7 = arith.constant 0 : index
    %get3A_8 = vector.load %arg0[%get3A_6, %get3A_7] : memref<10240x128xf32, #tpu.memory_space<vmem>>, vector<10240x128xf32>
    %get3A_9 = arith.constant 0 : index
    %get3A_10 = arith.constant 0 : index
    %get3A_11 = vector.load %arg1[%get3A_9, %get3A_10] : memref<128x64xf32, #tpu.memory_space<vmem>>, vector<128x64xf32>
    %dot_general3A_12 = arith.constant dense<0.000000e+00> : vector<10240x64xf32>
    %dot_general3A_13 = tpu.matmul %get3A_8, %get3A_11, %dot_general3A_12 {dimension_numbers = #tpu.dot_dimension_numbers<[1], [0], [0], [1], [0, 0, 1, 1], [], []>, transpose_lhs_hint = false} : vector<10240x128xf32>, vector<128x64xf32>, vector<10240x64xf32> -> vector<10240x64xf32>
    %mul3A = vector.broadcast %rsqrt3A : vector<10240x1xf32> to vector<10240x64xf32>
    %mul3A_14 = arith.mulf %dot_general3A_13, %mul3A : vector<10240x64xf32>
    %swap3A = arith.constant 0 : index
    %swap3A_15 = arith.constant 0 : index
    %swap3A_16 = vector.load %arg3[%swap3A, %swap3A_15] : memref<10240x64xf32, #tpu.memory_space<vmem>>, vector<10240x64xf32>
    tpu.vector_store %arg3[%swap3A, %swap3A_15], %mul3A_14 {strides = array<i32>} : memref<10240x64xf32, #tpu.memory_space<vmem>>, vector<10240x64xf32>,
    %swap3A_17 = arith.constant 0 : index
    %swap3A_18 = arith.constant 0 : index
    %swap3A_19 = vector.load %arg4[%swap3A_17, %swap3A_18] : memref<10240x1xf32, #tpu.memory_space<vmem>>, vector<10240x1xf32>
    tpu.vector_store %arg4[%swap3A_17, %swap3A_18], %rsqrt3A {strides = array<i32>} : memref<10240x1xf32, #tpu.memory_space<vmem>>, vector<10240x1xf32>,
    return
  }
}

module attributes {stable_mosaic.version = 14 : i64} {
  func.func @_tc2_body(%arg0: memref<2x10240x64xf32, #tpu.memory_space<vmem>>, %arg1: memref<10240x64xf32, #tpu.memory_space<vmem>>, %arg2: memref<10240x1xf32, #tpu.memory_space<vmem>>, %arg3: memref<64xf32, #tpu.memory_space<vmem>>, %arg4: memref<64x48xf32, #tpu.memory_space<vmem>>, %arg5: memref<10240x48xf32, #tpu.memory_space<vmem>>) attributes {dimension_semantics = [], scalar_prefetch = 0 : i64, scratch_operands = 0 : i64, tpu.core_type = #tpu.core_type<tc>} {
    %get3A = arith.constant 0 : index
    %get3A_0 = arith.constant 0 : index
    %get3A_1 = vector.load %arg2[%get3A, %get3A_0] : memref<10240x1xf32, #tpu.memory_space<vmem>>, vector<10240x1xf32>
    %get3A_2 = arith.constant 0 : index
    %get3A_3 = arith.constant 0 : index
    %get3A_4 = arith.constant 0 : index
    %get3A_5 = vector.load %arg0[%get3A_2, %get3A_3, %get3A_4] : memref<2x10240x64xf32, #tpu.memory_space<vmem>>, vector<1x10240x64xf32>
    %get3A_6 = vector.shape_cast %get3A_5 : vector<1x10240x64xf32> to vector<10240x64xf32>
    %get3A_7 = arith.constant 1 : index
    %get3A_8 = arith.constant 0 : index
    %get3A_9 = arith.constant 0 : index
    %get3A_10 = vector.load %arg0[%get3A_7, %get3A_8, %get3A_9] : memref<2x10240x64xf32, #tpu.memory_space<vmem>>, vector<1x10240x64xf32>
    %get3A_11 = vector.shape_cast %get3A_10 : vector<1x10240x64xf32> to vector<10240x64xf32>
    %add3A = arith.addf %get3A_6, %get3A_11 : vector<10240x64xf32>
    %get3A_12 = arith.constant 0 : index
    %get3A_13 = arith.constant 0 : index
    %get3A_14 = vector.load %arg1[%get3A_12, %get3A_13] : memref<10240x64xf32, #tpu.memory_space<vmem>>, vector<10240x64xf32>
    %add3A_15 = arith.addf %add3A, %get3A_14 : vector<10240x64xf32>
    %mul3A = vector.broadcast %get3A_1 : vector<10240x1xf32> to vector<10240x64xf32>
    %mul3A_16 = arith.mulf %add3A_15, %mul3A : vector<10240x64xf32>
    %get3A_17 = arith.constant 0 : index
    %get3A_18 = vector.load %arg3[%get3A_17] : memref<64xf32, #tpu.memory_space<vmem>>, vector<64xf32>
    %broadcast_in_dim3A = vector.shape_cast %get3A_18 : vector<64xf32> to vector<1x64xf32>
    %add3A_19 = vector.broadcast %broadcast_in_dim3A : vector<1x64xf32> to vector<10240x64xf32>
    %add3A_20 = arith.addf %mul3A_16, %add3A_19 : vector<10240x64xf32>
    %iota3A = tpu.iota {dimensions = array<i32: 0>} : vector<10240x1xi32>
    %lt3A = arith.constant 10000 : i32
    %lt3A_21 = vector.broadcast %lt3A : i32 to vector<10240x1xi32>
    %lt3A_22 = arith.cmpi slt, %iota3A, %lt3A_21 : vector<10240x1xi32>
    %convert_element_type3A = arith.extui %lt3A_22 : vector<10240x1xi1> to vector<10240x1xi32>
    %convert_element_type3A_23 = arith.sitofp %convert_element_type3A : vector<10240x1xi32> to vector<10240x1xf32>
    %mul3A_24 = vector.broadcast %convert_element_type3A_23 : vector<10240x1xf32> to vector<10240x64xf32>
    %mul3A_25 = arith.mulf %add3A_20, %mul3A_24 : vector<10240x64xf32>
    %reduce_sum3A = arith.constant dense<0.000000e+00> : vector<64xf32>
    %reduce_sum3A_26 = vector.multi_reduction <add>, %mul3A_25, %reduce_sum3A [0] : vector<10240x64xf32> to vector<64xf32>
    %broadcast_in_dim3A_27 = vector.shape_cast %reduce_sum3A_26 : vector<64xf32> to vector<1x64xf32>
    %mul3A_28 = arith.constant 9.99999974E-5 : f32
    %mul3A_29 = vector.broadcast %mul3A_28 : f32 to vector<1x64xf32>
    %mul3A_30 = arith.mulf %broadcast_in_dim3A_27, %mul3A_29 : vector<1x64xf32>
    %sub3A = vector.broadcast %mul3A_30 : vector<1x64xf32> to vector<10240x64xf32>
    %sub3A_31 = arith.subf %add3A_20, %sub3A : vector<10240x64xf32>
    %mul3A_32 = arith.mulf %sub3A_31, %sub3A_31 : vector<10240x64xf32>
    %mul3A_33 = vector.broadcast %convert_element_type3A_23 : vector<10240x1xf32> to vector<10240x64xf32>
    %mul3A_34 = arith.mulf %mul3A_32, %mul3A_33 : vector<10240x64xf32>
    %reduce_sum3A_35 = arith.constant dense<0.000000e+00> : vector<64xf32>
    %reduce_sum3A_36 = vector.multi_reduction <add>, %mul3A_34, %reduce_sum3A_35 [0] : vector<10240x64xf32> to vector<64xf32>
    %broadcast_in_dim3A_37 = vector.shape_cast %reduce_sum3A_36 : vector<64xf32> to vector<1x64xf32>
    %mul3A_38 = arith.constant 9.99999974E-5 : f32
    %mul3A_39 = vector.broadcast %mul3A_38 : f32 to vector<1x64xf32>
    %mul3A_40 = arith.mulf %broadcast_in_dim3A_37, %mul3A_39 : vector<1x64xf32>
    %add3A_41 = arith.constant 9.99999974E-6 : f32
    %add3A_42 = vector.broadcast %add3A_41 : f32 to vector<1x64xf32>
    %add3A_43 = arith.addf %mul3A_40, %add3A_42 : vector<1x64xf32>
    %rsqrt3A = math.rsqrt %add3A_43 : vector<1x64xf32>
    %mul3A_44 = vector.broadcast %rsqrt3A : vector<1x64xf32> to vector<10240x64xf32>
    %mul3A_45 = arith.mulf %sub3A_31, %mul3A_44 : vector<10240x64xf32>
    %max3A = arith.constant 0.000000e+00 : f32
    %max3A_46 = vector.broadcast %max3A : f32 to vector<10240x64xf32>
    %max3A_47 = arith.maximumf %mul3A_45, %max3A_46 : vector<10240x64xf32>
    %get3A_48 = arith.constant 0 : index
    %get3A_49 = arith.constant 0 : index
    %get3A_50 = vector.load %arg4[%get3A_48, %get3A_49] : memref<64x48xf32, #tpu.memory_space<vmem>>, vector<64x48xf32>
    %dot_general3A = arith.constant dense<0.000000e+00> : vector<10240x48xf32>
    %dot_general3A_51 = tpu.matmul %max3A_47, %get3A_50, %dot_general3A {dimension_numbers = #tpu.dot_dimension_numbers<[1], [0], [0], [1], [0, 0, 1, 1], [], []>, transpose_lhs_hint = false} : vector<10240x64xf32>, vector<64x48xf32>, vector<10240x48xf32> -> vector<10240x48xf32>
    %mul3A_52 = vector.broadcast %get3A_1 : vector<10240x1xf32> to vector<10240x48xf32>
    %mul3A_53 = arith.mulf %dot_general3A_51, %mul3A_52 : vector<10240x48xf32>
    %swap3A = arith.constant 0 : index
    %swap3A_54 = arith.constant 0 : index
    %swap3A_55 = vector.load %arg5[%swap3A, %swap3A_54] : memref<10240x48xf32, #tpu.memory_space<vmem>>, vector<10240x48xf32>
    tpu.vector_store %arg5[%swap3A, %swap3A_54], %mul3A_53 {strides = array<i32>} : memref<10240x48xf32, #tpu.memory_space<vmem>>, vector<10240x48xf32>,
    return
  }
}

module attributes {stable_mosaic.version = 14 : i64} {
  func.func @_tc3_body(%arg0: memref<2x10240x48xf32, #tpu.memory_space<vmem>>, %arg1: memref<10240x48xf32, #tpu.memory_space<vmem>>, %arg2: memref<10240x1xf32, #tpu.memory_space<vmem>>, %arg3: memref<48xf32, #tpu.memory_space<vmem>>, %arg4: memref<10240x48xf32, #tpu.memory_space<vmem>>) attributes {dimension_semantics = [], scalar_prefetch = 0 : i64, scratch_operands = 0 : i64, tpu.core_type = #tpu.core_type<tc>} {
    %get3A = arith.constant 0 : index
    %get3A_0 = arith.constant 0 : index
    %get3A_1 = arith.constant 0 : index
    %get3A_2 = vector.load %arg0[%get3A, %get3A_0, %get3A_1] : memref<2x10240x48xf32, #tpu.memory_space<vmem>>, vector<1x10240x48xf32>
    %get3A_3 = vector.shape_cast %get3A_2 : vector<1x10240x48xf32> to vector<10240x48xf32>
    %get3A_4 = arith.constant 1 : index
    %get3A_5 = arith.constant 0 : index
    %get3A_6 = arith.constant 0 : index
    %get3A_7 = vector.load %arg0[%get3A_4, %get3A_5, %get3A_6] : memref<2x10240x48xf32, #tpu.memory_space<vmem>>, vector<1x10240x48xf32>
    %get3A_8 = vector.shape_cast %get3A_7 : vector<1x10240x48xf32> to vector<10240x48xf32>
    %add3A = arith.addf %get3A_3, %get3A_8 : vector<10240x48xf32>
    %get3A_9 = arith.constant 0 : index
    %get3A_10 = arith.constant 0 : index
    %get3A_11 = vector.load %arg1[%get3A_9, %get3A_10] : memref<10240x48xf32, #tpu.memory_space<vmem>>, vector<10240x48xf32>
    %add3A_12 = arith.addf %add3A, %get3A_11 : vector<10240x48xf32>
    %get3A_13 = arith.constant 0 : index
    %get3A_14 = arith.constant 0 : index
    %get3A_15 = vector.load %arg2[%get3A_13, %get3A_14] : memref<10240x1xf32, #tpu.memory_space<vmem>>, vector<10240x1xf32>
    %mul3A = vector.broadcast %get3A_15 : vector<10240x1xf32> to vector<10240x48xf32>
    %mul3A_16 = arith.mulf %add3A_12, %mul3A : vector<10240x48xf32>
    %get3A_17 = arith.constant 0 : index
    %get3A_18 = vector.load %arg3[%get3A_17] : memref<48xf32, #tpu.memory_space<vmem>>, vector<48xf32>
    %broadcast_in_dim3A = vector.shape_cast %get3A_18 : vector<48xf32> to vector<1x48xf32>
    %add3A_19 = vector.broadcast %broadcast_in_dim3A : vector<1x48xf32> to vector<10240x48xf32>
    %add3A_20 = arith.addf %mul3A_16, %add3A_19 : vector<10240x48xf32>
    %swap3A = arith.constant 0 : index
    %swap3A_21 = arith.constant 0 : index
    %swap3A_22 = vector.load %arg4[%swap3A, %swap3A_21] : memref<10240x48xf32, #tpu.memory_space<vmem>>, vector<10240x48xf32>
    tpu.vector_store %arg4[%swap3A, %swap3A_21], %add3A_20 {strides = array<i32>} : memref<10240x48xf32, #tpu.memory_space<vmem>>, vector<10240x48xf32>,
    return
  }
}

</mosaic_0001>

<sc_bundles>
// kernel: kernel.11.cloned.1.call-start
scs
__scs_entry_jumppad:
0x0: {  	(pc) =	sbr.rel $0x88, $3  }
0x1: {  	(tag) =	ssettag $0x0;
	lr =	simm.s32 $0x1  }
0x2: {  	[smem:$0x3F9B] =	sst lr;
	_ =	strace $0xD0000000  }
0x3: {  	_ = 	snop  }
0x4: {  	_ = 	snop  }
0x5: {  	_ = 	snop  }
0x6: {  	_ = 	snop  }
0x7: {  	_ = 	snop  }
__scs_overlays_trampoline_lowered:
0x8: {  	[smem:$0x3FAA] =	sst s0  }
0x9: {  	[smem:$0x3FAB] =	sst s1  }
0xa: {  	[smem:$0x3FAC] =	sst s2  }
0xb: {  	[smem:$0x3FAD] =	sst s3  }
0xc: {  	[smem:$0x3FAE] =	sst s4  }
0xd: {  	[smem:$0x3FAF] =	sst s5  }
0xe: {  	[smem:$0x3FB0] =	sst s6  }
0xf: {  	[smem:$0x3FB1] =	sst s7  }
0x10: {  	[smem:$0x3FB2] =	sst s8  }
0x11: {  	[smem:$0x3FB3] =	sst s9;
	s0 =	simm.s32 @!p0 $0x0  }
0x12: {  	s1 =	sld [smem:$0x3F99];
	s0 =	simm.s32 @p0 $0x1  }
0x13: {  	[smem:$0x3FB4] =	sst s0;
	s0 =	simm.s32 @!p1 $0x0  }
0x14: {  	s2 =	sld [smem:$0x3F98];
	s0 =	simm.s32 @p1 $0x1  }
0x15: {  	[smem:$0x3FB5] =	sst s0;
	s0 =	simm.s32 @!p2 $0x0  }
0x16: {  	s3 =	sld [smem:$0x3FDB];
	s0 =	simm.s32 @p2 $0x1  }
0x17: {  	s4 =	simm.s32 $0x1BF5;
	[smem:$0x3FB7] =	sst s0  }
0x18: {  	s0 =	sld [smem:$0x3F9A];
	_ =	swait.ge [sflag:s4], $0x0  }
0x19: {  	s7 =	sld [smem:$0x3F9B]  }
0x1a: {  	s8 =	sadd.s32 $0xFFFFE003, lr  }
0x1b: {  	s9 =	sadd.s32 $0xFFFFFEF7, lr;
	s5 =	simm.s32 $0xFFFFFFFF;
	p2 =	slt.u32 s8, $0xFFFFF086  }
0x1c: {  	p1 =	slt.u32 s9, $0xF7A;
	s5 =	simm.s32 @!p2 $0x0  }
0x1d: {  	s5 =	simm.s32 @p1 $0x1;
	p0 =	seq.s32 s7, s2  }
0x1e: {  	s7 =	smul.u32 @!p0 $0xF7A, s2;
	p2 =	seq.s32 @!p0 s5, $0x0  }
0x1f: {  	s9 =	smul.u32 $0xF7A, s1;
	s8 =	simm.s32 @!p0 $0x1BF5;
	p2 =	por !p2, p0  }
0x20: {  	[sflag:s8] =	ssyncset.s32 @!p0 $0xFFFFF086;
	s6 =	sadd.s32 @!p0 s3, s7;
	s7 =	simm.s32 @!p0 $0x108  }
0x21: {  	s3 =	sadd.s32 s3, s9;
	s6 =	sadd.s32 @!p0 $0x88, s6;
	s7 =	simm.s32 @p2 $0x1082  }
0x22: {  	[simem:s7], [sflag:s8] =	dma.local @!p0 [hbm:s6], $0xF7A  }
0x23: {  	s9 =	sor.u32 $0xD0000000, s2;
	s6 =	simm.s32 $0x108;
	_ =	swait.ge @!p0 [sflag:s8], $0x0  }
0x24: {  	s3 =	sadd.s32 $0x88, s3;
	s6 =	simm.s32 @!p1 $0x1082;
	[sflag:s4] =	ssyncset.s32 $0xFFFFF086  }
0x25: {  	[simem:s6], [sflag:s4] =	dma.local [hbm:s3], $0xF7A  }
0x26: {  	[smem:$0x3F9B] =	sst s1;
	(tag) =	ssettag s2;
	_ =	strace s9  }
0x27: {  	s1 =	sld [smem:$0x3FAB]  }
0x28: {  	s2 =	sld [smem:$0x3FAC]  }
0x29: {  	s4 =	sld [smem:$0x3FAE]  }
0x2a: {  	p0 =	seq.s32 s5, $0x0;
	s5 =	sld [smem:$0x3FAF]  }
0x2b: {  	s6 =	sld [smem:$0x3FB0]  }
0x2c: {  	s7 =	sld [smem:$0x3FB1]  }
0x2d: {  	s3 =	simm.s32 $0x108;
	s8 =	sld [smem:$0x3FB2]  }
0x2e: {  	s3 =	simm.s32 @!p0 $0x1082;
	s9 =	sld [smem:$0x3FB3]  }
0x2f: {  	lr =	sadd.s32 s0, s3;
	s0 =	sld [smem:$0x3FAA]  }
0x30: {  	s3 =	sld [smem:$0x3FAD]  }
0x31: {  	[smem:$0x3FB6] =	sst s10  }
0x32: {  	s10 =	sld [smem:$0x3FB4];
	_ =	sdelay $0x3  }
0x33: {  	p0 =	seq.s32 s10, $0x1;
	s10 =	sld [smem:$0x3FB6];
	_ =	sdelay $0x3  }
0x34: {  	[smem:$0x3FB6] =	sst s10  }
0x35: {  	s10 =	sld [smem:$0x3FB5];
	_ =	sdelay $0x3  }
0x36: {  	p1 =	seq.s32 s10, $0x1;
	s10 =	sld [smem:$0x3FB6];
	_ =	sdelay $0x3  }
0x37: {  	[smem:$0x3FB6] =	sst s10  }
0x38: {  	s10 =	sld [smem:$0x3FB7]  }
0x39: {  	_ = 	snop;
	(pc) =	sbr.ind lr, $3  }
0x3a: {  	_ = 	snop  }
0x3b: {  	_ = 	snop  }
0x3c: {  	p2 =	seq.s32 s10, $0x1;
	s10 =	sld [smem:$0x3FB6]  }
0x3d: {  	_ =	shalt  }
0x3e: {  	_ =	shalt  }
0x3f: {  	_ =	shalt  }
0x40: {  	_ =	shalt  }
0x41: {  	_ =	shalt  }
0x42: {  	_ =	shalt  }
0x43: {  	_ =	shalt  }
0x44: {  	_ =	shalt  }
0x45: {  	_ =	shalt  }
0x46: {  	_ =	shalt  }
0x47: {  	_ =	shalt  }
0x48: {  	_ =	shalt  }
0x49: {  	_ =	shalt  }
0x4a: {  	_ =	shalt  }
0x4b: {  	_ =	shalt  }
0x4c: {  	_ =	shalt  }
0x4d: {  	_ =	shalt  }
0x4e: {  	_ =	shalt  }
0x4f: {  	_ =	shalt  }
0x50: {  	_ =	shalt  }
0x51: {  	_ =	shalt  }
0x52: {  	_ =	shalt  }
0x53: {  	_ =	shalt  }
0x54: {  	_ =	shalt  }
0x55: {  	_ =	shalt  }
0x56: {  	_ =	shalt  }
0x57: {  	_ =	shalt  }
0x58: {  	_ =	shalt  }
0x59: {  	_ =	shalt  }
0x5a: {  	_ =	shalt  }
0x5b: {  	_ =	shalt  }
0x5c: {  	_ =	shalt  }
0x5d: {  	_ =	shalt  }
0x5e: {  	_ =	shalt  }
0x5f: {  	_ =	shalt  }
0x60: {  	_ =	shalt  }
0x61: {  	_ =	shalt  }
0x62: {  	_ =	shalt  }
0x63: {  	_ =	shalt  }
0x64: {  	_ =	shalt  }
0x65: {  	_ =	shalt  }
0x66: {  	_ =	shalt  }
0x67: {  	_ =	shalt  }
0x68: {  	_ =	shalt  }
0x69: {  	_ =	shalt  }
0x6a: {  	_ =	shalt  }
0x6b: {  	_ =	shalt  }
0x6c: {  	_ =	shalt  }
0x6d: {  	_ =	shalt  }
0x6e: {  	_ =	shalt  }
0x6f: {  	_ =	shalt  }
0x70: {  	_ =	shalt  }
0x71: {  	_ =	shalt  }
0x72: {  	_ =	shalt  }
0x73: {  	_ =	shalt  }
0x74: {  	_ =	shalt  }
0x75: {  	_ =	shalt  }
0x76: {  	_ =	shalt  }
0x77: {  	_ =	shalt  }
0x78: {  	_ =	shalt  }
0x79: {  	_ =	shalt  }
0x7a: {  	_ =	shalt  }
0x7b: {  	_ =	shalt  }
0x7c: {  	_ =	shalt  }
0x7d: {  	_ =	shalt  }
0x7e: {  	_ =	shalt  }
0x7f: {  	_ =	shalt  }
0x80: {  	_ =	shalt  }
0x81: {  	_ =	shalt  }
0x82: {  	_ =	shalt  }
0x83: {  	_ =	shalt  }
0x84: {  	_ =	shalt  }
0x85: {  	_ =	shalt  }
0x86: {  	_ =	shalt  }
0x87: {  	_ =	shalt  }
.Lfunc_end0:
.L_simem_size_0:
called_computation.1_lowered:
.L_overlay_start_0:
0x88: {  	s2 =	sld [smem:$0x3FD9]  }
0x89: {  	s3 =	sld [smem:$0x3FFE];
	_ =	sdelay $0x1  }
0x8a: {  	s1 =	srdreg.scid  }
0x8b: {  	s0 =	sand.u32 $0x1, s1  }
0x8c: {  	s16 =	sshll.u32 s0, $0xA;
	s2 =	sadd.s32 s3, s2  }
0x8d: {  	s2 =	sadd.s32 s2, s16  }
0x8e: {  	[smem:$0x3FC2] =	sst s2  }
0x8f: {  	_ = 	snop  }
0x90: {  	(tm) =	ssettm $0x1  }
0x91: {  	s17 =	sld [smem:$0x3FFB];
	_ =	sdelay $0x3  }
0x92: {  	_ =	strace s17  }
0x93: {  	s2 =	sld [smem:$0x3FFC];
	_ =	sdelay $0x3  }
0x94: {  	_ =	strace s2  }
0x95: {  	s2 =	sld [smem:$0x3FFD];
	_ =	sdelay $0x3  }
0x96: {  	_ =	strace s2  }
0x97: {  	_ =	strace $0x8FFFFFFF  }
0x98: {  	s18 =	sld [smem:$0x3FDB];
	_ =	sdelay $0x1  }
0x99: {  	s19 =	simm.s32 $_scs_section_size  }
0x9a: {  	s4 =	simm.s32 $_size__tile_overlayer_lowered;
	s5 =	simm.s32 $_tile_overlayer_lowered  }
0x9b: {  	s22 =	simm.s32 $0x1BFF;
	s21 =	sshll.u32 s5, $0x1;
	s2 =	sadd.s32 s19, s18  }
0x9c: {  	s6 =	simm.s32 $0x0;
	s20 =	sshll.u32 s4, $0x1;
	s4 =	sadd.s32 s21, s2  }
0x9d: {  	[timem:s6], [sflag:s22] =	dma.local [hbm:s4], s20  }
0x9e: {  	_ =	swait.ge [sflag:s22], s20  }
0x9f: {  	s3 =	ssub.s32 $0x0, s20;
	[sflag:s22] =	ssyncset.done $0x0  }
0xa0: {  	[sflag:s22] =	ssyncadd.s32 s3;
	_ =	sdelay $0x1  }
0xa1: {  	s23 =	simm.s32 $0x1B8B  }
0xa2: {  	_ =	swait.ge [sflag:s23], $0x1  }
0xa3: {  	[sflag:s23] =	ssyncset.done $0x0  }
0xa4: {  	s25 =	simm.s32 $0x1B8E;
	s24 =	sld [smem:$0x3FFE];
	[sflag:s23] =	ssyncadd.s32 $0xFFFFFFFF  }
0xa5: {  	s26 =	simm.s32 $execute0_lowered;
	[smem:$0x3FD2] =	sst s25  }
0xa6: {  	s4 =	sshll.u32 s26, $0x1;
	_ =	strace $0x80000049;
	[dreg:$0x1] =	wrdreg $0xFFFFFFFF  }
0xa7: {  	s28 =	simm.s32 $_size_execute0_lowered;
	s2 =	sadd.s32 s2, s4;
	[dreg:$0x0] =	wrdreg $0x0  }
0xa8: {  	s4 =	sshll.u32 s28, $0x1;
	[dreg:$0x2] =	wrdreg s2  }
0xa9: {  	[dreg:$0x3] =	wrdreg s4  }
0xaa: {  	[dreg:$0x4] =	wrdreg $0xC0  }
0xab: {  	_ =	task [dreg:s6], $0x5FFFF  }
0xac: {  	[dreg:$0x1] =	wrdreg $0xFFFFFFFF  }
0xad: {  	[dreg:$0x0] =	wrdreg $0x60  }
0xae: {  	[dreg:$0x2] =	wrdreg s24  }
0xaf: {  	[dreg:$0x3] =	wrdreg $0x130000  }
0xb0: {  	[dreg:$0x4] =	wrdreg $0x90000  }
0xb1: {  	[dreg:$0x5] =	wrdreg $0x9  }
0xb2: {  	_ =	task.clear_ibuf [dreg:s6], $0x6FFFF;
	_ =	strace $0x90000049  }
0xb3: {  	s29 =	simm.s32 $0x9;
	_ =	strace $0x8000004B  }
0xb4: {  	_ =	swait.ge [sflag:s29], $0x1  }
0xb5: {  	[sflag:s29] =	ssyncadd.s32 $0xFFFFFFFF  }
0xb6: {  	_ =	strace $0x9000004B  }
0xb7: {  	_ =	sfence  }
0xb8: {  	s30 =	sld [smem:$0x0];
	_ =	sdelay $0x2  }
0xb9: {  	s31 =	sshll.u32 s1, $0xD;
	s1 =	sshrl.u32 s1, $0x2  }
0xba: {  	s3 =	sand.u32 $0x4000, s31;
	s1 =	sadd.s32 s1, s30  }
0xbb: {  	s0 =	sor.u32 s3, s0;
	s1 =	sshll.u32 s1, $0x11  }
0xbc: {  	s0 =	sor.u32 s1, s0  }
0xbd: {  	s0 =	sadd.s32 $0x8F2B, s0  }
0xbe: {  	[sflag:s0] =	ssyncadd.remote.s32 $0x1  }
0xbf: {  	_ =	sfence.sel $0xFFFF  }
0xc0: {  	[dreg:$0x0] =	wrdreg $0xFFFFFFFF;
	(pc) =	sbr.abs _section_cstart, $3  }
0xc1: {  	[dreg:$0x1] =	wrdreg $0xFFFFFFFF  }
0xc2: {  	_ =	task.clear_ibuf [dreg:s6], $0x2FFFF;
	_ =	strace $0x9FFFFFFF  }
0xc3: {  	(tm) =	ssettm $0x7FFFFFFF  }
tec
execute0_lowered:
.L_overlay_start_1:
0x0: {  	(tag) =	ssettag $0x1  }
0x1: {  	s0 =	rddreg [dreg:$0x0]  }
0x2: {  	s2 =	rddreg [dreg:$0x1]  }
0x3: {  	s3 =	rddreg [dreg:$0x2];
	s11 =	stileid.u32  }
0x4: {  	s1 =	srdreg.scid;
	s4 =	simm.s32 $0x0;
	s13 =	simm.s32 $0x3  }
0x5: {  	s16 =	simm.s32 $0x80;
	s17 =	simm.s32 $0x5000;
	s18 =	simm.s32 $0x7000  }
0x6: {  	s19 =	simm.s32 $0x1;
	s20 =	simm.s32 $0x2;
	s21 =	simm.s32 $0x2680  }
0x7: {  	s22 =	simm.s32 $0x4E00;
	s23 =	simm.s32 $0x2700;
	s24 =	simm.s32 $0x4E80  }
0x8: {  	s25 =	simm.s32 $0x2780;
	s26 =	simm.s32 $0x4F00;
	s28 =	simm.s32 $0x4F80  }
0x9: {  	s29 =	simm.s32 $0x0;
	s7 =	smul.u32 $0xA000, s11;
	s1 =	sand.u32 $0x1, s1  }
0xa: {  	[smem:$0x7FF] =	sst s4;
	s31 =	sshll.u32 s11, $0x6;
	s5 =	sshll.u32 s1, $0x4  }
0xb: {  	s6 =	smul.u32 $0xA0000, s1;
	_ =	strace $0x8000004A;
	s1 =	ssub.s32 $0x2, s1  }
0xc: {  	s8 =	sshrl.u32 s7, $0x3;
	s5 =	sor.u32 s11, s5;
	s9 =	sshrl.u32 s1, $0x1  }
0xd: {  	s12 =	sadd.s32 s7, s2;
	s14 =	sadd.s32 s7, s3;
	s5 =	smul.u32 $0x500, s5  }
0xe: {  	s6 =	sadd.s32 s7, s6;
	s8 =	sadd.s32 s8, s0;
	s1 =	ssub.s32 s1, s9  }
0xf: {  	s12 =	sshrl.u32 s12, $0x3;
	s14 =	sshrl.u32 s14, $0x3;
	s6 =	sshrl.u32 s6, $0x3  }
0x10: {  	s7 =	sadd.s32 $0xB200, s8;
	s11 =	smax.u32 s1, $0x1;
	s10 =	sadd.s32 s5, s0  }
0x11: {  	s0 =	sadd.s32 s6, s0;
	s5 =	sadd.s32 $0x1F200, s8;
	s6 =	sor.u32 $0x1C03, s31  }
0x12: {  	s8 =	sadd.s32 $0x5B200, s10;
	s9 =	sadd.s32 $0x1200, s10;
	s10 =	sadd.s32 $0x33200, s0  }
.LBB2_1:
0x13: {  	[spmem:s12], [sflag:s6] =	dma.local [hbm:s5], $0x1400  }
0x14: {  	_ =	swait.ge [sflag:s13], $0x1400  }
0x15: {  	[sflag:s13] =	ssyncset.done $0x0  }
0x16: {  	[sflag:s13] =	ssyncadd.s32 $0xFFFFEC00  }
0x17: {  	[spmem:s14], [sflag:s6] =	dma.local [hbm:s7], $0x1400  }
0x18: {  	_ =	swait.ge [sflag:s13], $0x1400  }
0x19: {  	[sflag:s13] =	ssyncset.done $0x0  }
0x1a: {  	[sflag:s13] =	ssyncadd.s32 $0xFFFFEC00  }
0x1b: {  	[tilespmem:s4], [sflag:$0x3] =	stream.linear.gather [hbm4b:s8+s4], $0x2800, $0x38;
	[tilespmem:$0x1D000] =	vst v63  }
0x1c: {  	_ =	swait.ge [sflag:s13], $0x2800  }
0x1d: {  	[sflag:s13] =	ssyncset.done $0x0  }
0x1e: {  	s0 =	simm.s32 $0x2800;
	[sflag:s13] =	ssyncadd.s32 $0xFFFFD800  }
0x1f: {  	[tilespmem:s0], [sflag:$0x3] =	stream.linear.gather [hbm4b:s9+s4], $0x2800, $0x38;
	[tilespmem:$0x1D000] =	vst v63  }
0x20: {  	_ =	swait.ge [sflag:s13], $0x2800  }
0x21: {  	[sflag:s13] =	ssyncset.done $0x0  }
0x22: {  	[sflag:s13] =	ssyncadd.s32 $0xFFFFD800  }
0x23: {  	[bflag:$0x0] =	sbarrier.arrive $0xFFFF  }
0x24: {  	[tilespmem:s17], [sflag:$0x1] =	stream.indirect.gather [spmem:s3], $0x40, s4, s16, $0xb8;
	[tilespmem:$0x1D000] =	vst v63  }
0x25: {  	s1 =	simm.s32 $0x80  }
0x26: {  	[tilespmem:s18], [sflag:$0x2] =	stream.indirect.gather [spmem:s3], $0x40, s1, s16, $0xb8;
	[tilespmem:$0x1D000] =	vst v63  }
0x27: {  	_ =	swait.ge [sflag:s19], $0x2000  }
0x28: {  	[sflag:s19] =	ssyncset.done $0x0  }
0x29: {  	s15 =	simm.s32 $0x2800;
	[sflag:s19] =	ssyncadd.s32 $0xFFFFE000  }
0x2a: {  	[spmem:s2] =	stream.indirect.scatter.add.f32 [tilespmem:s17], [sflag:$0x3], $0x40, s15, s16, $0xb8;
	[tilespmem:$0x1D000] =	vst v63  }
0x2b: {  	_ =	swait.ge [sflag:s13], $0x2000  }
0x2c: {  	[sflag:s13] =	ssyncset.done $0x0  }
0x2d: {  	s1 =	simm.s32 $0x100;
	[sflag:s13] =	ssyncadd.s32 $0xFFFFE000  }
0x2e: {  	[tilespmem:s17], [sflag:$0x1] =	stream.indirect.gather [spmem:s3], $0x40, s1, s16, $0xb8;
	[tilespmem:$0x1D000] =	vst v63  }
0x2f: {  	_ =	swait.ge [sflag:s20], $0x2000  }
0x30: {  	[sflag:s20] =	ssyncset.done $0x0  }
0x31: {  	s15 =	simm.s32 $0x2880;
	[sflag:s20] =	ssyncadd.s32 $0xFFFFE000  }
0x32: {  	[spmem:s2] =	stream.indirect.scatter.add.f32 [tilespmem:s18], [sflag:$0x3], $0x40, s15, s16, $0xb8;
	[tilespmem:$0x1D000] =	vst v63  }
0x33: {  	_ =	swait.ge [sflag:s13], $0x2000  }
0x34: {  	[sflag:s13] =	ssyncset.done $0x0  }
0x35: {  	s1 =	simm.s32 $0x180;
	[sflag:s13] =	ssyncadd.s32 $0xFFFFE000  }
0x36: {  	[tilespmem:s18], [sflag:$0x2] =	stream.indirect.gather [spmem:s3], $0x40, s1, s16, $0xb8;
	[tilespmem:$0x1D000] =	vst v63  }
0x37: {  	_ =	swait.ge [sflag:s19], $0x2000  }
0x38: {  	[sflag:s19] =	ssyncset.done $0x0  }
0x39: {  	s15 =	simm.s32 $0x2900;
	[sflag:s19] =	ssyncadd.s32 $0xFFFFE000  }
0x3a: {  	[spmem:s2] =	stream.indirect.scatter.add.f32 [tilespmem:s17], [sflag:$0x3], $0x40, s15, s16, $0xb8;
	[tilespmem:$0x1D000] =	vst v63  }
0x3b: {  	_ =	swait.ge [sflag:s13], $0x2000  }
0x3c: {  	[sflag:s13] =	ssyncset.done $0x0  }
0x3d: {  	s1 =	simm.s32 $0x200;
	[sflag:s13] =	ssyncadd.s32 $0xFFFFE000  }
0x3e: {  	[tilespmem:s17], [sflag:$0x1] =	stream.indirect.gather [spmem:s3], $0x40, s1, s16, $0xb8;
	[tilespmem:$0x1D000] =	vst v63  }
0x3f: {  	_ =	swait.ge [sflag:s20], $0x2000  }
0x40: {  	[sflag:s20] =	ssyncset.done $0x0  }
0x41: {  	s15 =	simm.s32 $0x2980;
	[sflag:s20] =	ssyncadd.s32 $0xFFFFE000  }
0x42: {  	[spmem:s2] =	stream.indirect.scatter.add.f32 [tilespmem:s18], [sflag:$0x3], $0x40, s15, s16, $0xb8;
	[tilespmem:$0x1D000] =	vst v63  }
0x43: {  	_ =	swait.ge [sflag:s13], $0x2000  }
0x44: {  	s31 =	simm.s32 $0x1000;
	s30 =	simm.s32 $0x200;
	[sflag:s13] =	ssyncset.done $0x0  }
.LBB2_2:
0x45: {  	s15 =	sadd.s32 $0x80, s30  }
0x46: {  	[sflag:s13] =	ssyncadd.s32 $0xFFFFE000;
	s0 =	smov.u32 s31;
	s1 =	sadd.s32 $0x800, s31  }
0x47: {  	[tilespmem:s18], [sflag:$0x2] =	stream.indirect.gather [spmem:s3], $0x40, s15, s16, $0xb8;
	[tilespmem:$0x1D000] =	vst v63  }
0x48: {  	p0 =	sne.s32 s31, $0x9000;
	_ =	swait.ge [sflag:s19], $0x2000  }
0x49: {  	[sflag:s19] =	ssyncset.done $0x0  }
0x4a: {  	s15 =	sadd.s32 $0x2800, s30;
	[sflag:s19] =	ssyncadd.s32 $0xFFFFE000  }
0x4b: {  	[spmem:s2] =	stream.indirect.scatter.add.f32 [tilespmem:s17], [sflag:$0x3], $0x40, s15, s16, $0xb8;
	[tilespmem:$0x1D000] =	vst v63  }
0x4c: {  	_ =	swait.ge [sflag:s13], $0x2000  }
0x4d: {  	[sflag:s13] =	ssyncset.done $0x0  }
0x4e: {  	s15 =	sadd.s32 $0x100, s30;
	[sflag:s13] =	ssyncadd.s32 $0xFFFFE000  }
0x4f: {  	[tilespmem:s17], [sflag:$0x1] =	stream.indirect.gather [spmem:s3], $0x40, s15, s16, $0xb8;
	[tilespmem:$0x1D000] =	vst v63  }
0x50: {  	_ =	swait.ge [sflag:s20], $0x2000  }
0x51: {  	[sflag:s20] =	ssyncset.done $0x0  }
0x52: {  	s15 =	sadd.s32 $0x2880, s30;
	[sflag:s20] =	ssyncadd.s32 $0xFFFFE000  }
0x53: {  	[spmem:s2] =	stream.indirect.scatter.add.f32 [tilespmem:s18], [sflag:$0x3], $0x40, s15, s16, $0xb8;
	[tilespmem:$0x1D000] =	vst v63  }
0x54: {  	_ =	swait.ge [sflag:s13], $0x2000  }
0x55: {  	[sflag:s13] =	ssyncset.done $0x0  }
0x56: {  	s15 =	sadd.s32 $0x180, s30;
	[sflag:s13] =	ssyncadd.s32 $0xFFFFE000  }
0x57: {  	[tilespmem:s18], [sflag:$0x2] =	stream.indirect.gather [spmem:s3], $0x40, s15, s16, $0xb8;
	[tilespmem:$0x1D000] =	vst v63  }
0x58: {  	_ =	swait.ge [sflag:s19], $0x2000  }
0x59: {  	[sflag:s19] =	ssyncset.done $0x0  }
0x5a: {  	s15 =	sadd.s32 $0x2900, s30;
	[sflag:s19] =	ssyncadd.s32 $0xFFFFE000  }
0x5b: {  	[spmem:s2] =	stream.indirect.scatter.add.f32 [tilespmem:s17], [sflag:$0x3], $0x40, s15, s16, $0xb8;
	[tilespmem:$0x1D000] =	vst v63  }
0x5c: {  	_ =	swait.ge [sflag:s13], $0x2000  }
0x5d: {  	[sflag:s13] =	ssyncset.done $0x0  }
0x5e: {  	s15 =	sadd.s32 $0x200, s30;
	[sflag:s13] =	ssyncadd.s32 $0xFFFFE000  }
0x5f: {  	[tilespmem:s17], [sflag:$0x1] =	stream.indirect.gather [spmem:s3], $0x40, s15, s16, $0xb8;
	[tilespmem:$0x1D000] =	vst v63  }
0x60: {  	_ =	swait.ge [sflag:s20], $0x2000  }
.Ltmp0:
0x61: {  	[sflag:s20] =	ssyncset.done $0x0;
	(pc) =	sbr.rel @p0 .LBB2_2-.Ltmp0, $4  }
0x62: {  	s15 =	sadd.s32 $0x2980, s30;
	[sflag:s20] =	ssyncadd.s32 $0xFFFFE000  }
0x63: {  	[spmem:s2] =	stream.indirect.scatter.add.f32 [tilespmem:s18], [sflag:$0x3], $0x40, s15, s16, $0xb8;
	[tilespmem:$0x1D000] =	vst v63  }
0x64: {  	_ =	swait.ge [sflag:s13], $0x2000  }
0x65: {  	s31 =	smov.u32 s1;
	s30 =	sshra.s32 s0, $0x2;
	[sflag:s13] =	ssyncset.done $0x0  }
0x66: {  	s0 =	sadd.s32 $0x80, s30;
	[sflag:s13] =	ssyncadd.s32 $0xFFFFE000  }
0x67: {  	[tilespmem:s18], [sflag:$0x2] =	stream.indirect.gather [spmem:s3], $0x40, s0, s16, $0xb8;
	[tilespmem:$0x1D000] =	vst v63  }
0x68: {  	_ =	swait.ge [sflag:s19], $0x2000  }
0x69: {  	[sflag:s19] =	ssyncset.done $0x0  }
0x6a: {  	s31 =	sadd.s32 $0x2800, s30;
	[sflag:s19] =	ssyncadd.s32 $0xFFFFE000  }
0x6b: {  	[spmem:s2] =	stream.indirect.scatter.add.f32 [tilespmem:s17], [sflag:$0x3], $0x40, s31, s16, $0xb8;
	[tilespmem:$0x1D000] =	vst v63  }
0x6c: {  	_ =	swait.ge [sflag:s13], $0x2000  }
0x6d: {  	[sflag:s13] =	ssyncset.done $0x0  }
0x6e: {  	s1 =	sadd.s32 $0x100, s30;
	[sflag:s13] =	ssyncadd.s32 $0xFFFFE000  }
0x6f: {  	[tilespmem:s17], [sflag:$0x1] =	stream.indirect.gather [spmem:s3], $0x40, s1, s16, $0xb8;
	[tilespmem:$0x1D000] =	vst v63  }
0x70: {  	_ =	swait.ge [sflag:s20], $0x2000  }
0x71: {  	[sflag:s20] =	ssyncset.done $0x0  }
0x72: {  	s15 =	sadd.s32 $0x2880, s30;
	[sflag:s20] =	ssyncadd.s32 $0xFFFFE000  }
0x73: {  	[spmem:s2] =	stream.indirect.scatter.add.f32 [tilespmem:s18], [sflag:$0x3], $0x40, s15, s16, $0xb8;
	[tilespmem:$0x1D000] =	vst v63  }
0x74: {  	_ =	swait.ge [sflag:s13], $0x2000  }
0x75: {  	[sflag:s13] =	ssyncset.done $0x0  }
0x76: {  	s31 =	sadd.s32 $0x180, s30;
	[sflag:s13] =	ssyncadd.s32 $0xFFFFE000  }
0x77: {  	[tilespmem:s18], [sflag:$0x2] =	stream.indirect.gather [spmem:s3], $0x40, s31, s16, $0xb8;
	[tilespmem:$0x1D000] =	vst v63  }
0x78: {  	_ =	swait.ge [sflag:s19], $0x2000  }
0x79: {  	[sflag:s19] =	ssyncset.done $0x0  }
0x7a: {  	s1 =	sadd.s32 $0x2900, s30;
	[sflag:s19] =	ssyncadd.s32 $0xFFFFE000  }
0x7b: {  	[spmem:s2] =	stream.indirect.scatter.add.f32 [tilespmem:s17], [sflag:$0x3], $0x40, s1, s16, $0xb8;
	[tilespmem:$0x1D000] =	vst v63  }
0x7c: {  	_ =	swait.ge [sflag:s13], $0x2000  }
0x7d: {  	[sflag:s13] =	ssyncset.done $0x0  }
0x7e: {  	s15 =	sadd.s32 $0x200, s30;
	[sflag:s13] =	ssyncadd.s32 $0xFFFFE000  }
0x7f: {  	[tilespmem:s17], [sflag:$0x1] =	stream.indirect.gather [spmem:s3], $0x40, s15, s16, $0xb8;
	[tilespmem:$0x1D000] =	vst v63  }
0x80: {  	_ =	swait.ge [sflag:s20], $0x2000  }
0x81: {  	[sflag:s20] =	ssyncset.done $0x0  }
0x82: {  	s31 =	sadd.s32 $0x2980, s30;
	[sflag:s20] =	ssyncadd.s32 $0xFFFFE000  }
0x83: {  	[spmem:s2] =	stream.indirect.scatter.add.f32 [tilespmem:s18], [sflag:$0x3], $0x40, s31, s16, $0xb8;
	[tilespmem:$0x1D000] =	vst v63  }
0x84: {  	_ =	swait.ge [sflag:s13], $0x2000  }
0x85: {  	[sflag:s13] =	ssyncset.done $0x0  }
0x86: {  	[sflag:s13] =	ssyncadd.s32 $0xFFFFE000  }
0x87: {  	[tilespmem:s18], [sflag:$0x2] =	stream.indirect.gather [spmem:s3], $0x40, s21, s16, $0xb8;
	[tilespmem:$0x1D000] =	vst v63  }
0x88: {  	_ =	swait.ge [sflag:s19], $0x2000  }
0x89: {  	[sflag:s19] =	ssyncset.done $0x0  }
0x8a: {  	[sflag:s19] =	ssyncadd.s32 $0xFFFFE000  }
0x8b: {  	[spmem:s2] =	stream.indirect.scatter.add.f32 [tilespmem:s17], [sflag:$0x3], $0x40, s22, s16, $0xb8;
	[tilespmem:$0x1D000] =	vst v63  }
0x8c: {  	_ =	swait.ge [sflag:s13], $0x2000  }
0x8d: {  	[sflag:s13] =	ssyncset.done $0x0  }
0x8e: {  	[sflag:s13] =	ssyncadd.s32 $0xFFFFE000  }
0x8f: {  	[tilespmem:s17], [sflag:$0x1] =	stream.indirect.gather [spmem:s3], $0x40, s23, s16, $0xb8;
	[tilespmem:$0x1D000] =	vst v63  }
0x90: {  	_ =	swait.ge [sflag:s20], $0x2000  }
0x91: {  	[sflag:s20] =	ssyncset.done $0x0  }
0x92: {  	[sflag:s20] =	ssyncadd.s32 $0xFFFFE000  }
0x93: {  	[spmem:s2] =	stream.indirect.scatter.add.f32 [tilespmem:s18], [sflag:$0x3], $0x40, s24, s16, $0xb8;
	[tilespmem:$0x1D000] =	vst v63  }
0x94: {  	_ =	swait.ge [sflag:s13], $0x2000  }
0x95: {  	[sflag:s13] =	ssyncset.done $0x0  }
0x96: {  	[sflag:s13] =	ssyncadd.s32 $0xFFFFE000  }
0x97: {  	[tilespmem:s18], [sflag:$0x2] =	stream.indirect.gather [spmem:s3], $0x40, s25, s16, $0xb8;
	[tilespmem:$0x1D000] =	vst v63  }
0x98: {  	_ =	swait.ge [sflag:s19], $0x2000  }
0x99: {  	[sflag:s19] =	ssyncset.done $0x0  }
0x9a: {  	[sflag:s19] =	ssyncadd.s32 $0xFFFFE000  }
0x9b: {  	[spmem:s2] =	stream.indirect.scatter.add.f32 [tilespmem:s17], [sflag:$0x3], $0x40, s26, s16, $0xb8;
	[tilespmem:$0x1D000] =	vst v63  }
0x9c: {  	_ =	swait.ge [sflag:s13], $0x2000  }
0x9d: {  	[sflag:s13] =	ssyncset.done $0x0  }
0x9e: {  	[sflag:s13] =	ssyncadd.s32 $0xFFFFE000  }
0x9f: {  	[tilespmem:s17], [sflag:$0x1] =	stream.indirect.gather [spmem:s3], $0x40, s25, s16, $0xb8;
	[tilespmem:$0x1D000] =	vst v63  }
0xa0: {  	_ =	swait.ge [sflag:s20], $0x2000  }
0xa1: {  	[sflag:s20] =	ssyncset.done $0x0  }
0xa2: {  	[sflag:s20] =	ssyncadd.s32 $0xFFFFE000  }
0xa3: {  	[spmem:s2] =	stream.indirect.scatter.add.f32 [tilespmem:s18], [sflag:$0x3], $0x40, s28, s16, $0xb8;
	[tilespmem:$0x1D000] =	vst v63  }
0xa4: {  	_ =	swait.ge [sflag:s13], $0x2000  }
0xa5: {  	[sflag:s13] =	ssyncset.done $0x0  }
0xa6: {  	[sflag:s13] =	ssyncadd.s32 $0xFFFFE000  }
0xa7: {  	_ =	swait.ge [sflag:s19], $0x2000  }
0xa8: {  	s29 =	sadd.s32 $0x1, s29;
	[sflag:s19] =	ssyncset.done $0x0  }
0xa9: {  	p0 =	sne.s32 s29, s11;
	[sflag:s19] =	ssyncadd.s32 $0xFFFFE000  }
.Ltmp1:
0xaa: {  	[bflag:$0x0] =	sbarrier.arrive $0xFFFF;
	(pc) =	sbr.rel @p0 .LBB2_1-.Ltmp1, $4  }
0xab: {  	[hbm:s10], [sflag:s6] =	dma.local [spmem:s12], $0x1400  }
0xac: {  	_ =	swait.ge [sflag:s13], $0x1400  }
0xad: {  	[sflag:s13] =	ssyncset.done $0x0  }
0xae: {  	[sflag:s13] =	ssyncadd.s32 $0xFFFFEC00  }
0xaf: {  	_ =	sfence.sel $0x180000  }
0xb0: {  	[bflag:$0x0] =	sbarrier.arrive $0xFFFF  }
0xb1: {  	_ =	strace $0x9000004A  }
0xb2: {  	s0 =	stileid.u32;
	[bflag:$0x2] =	sbarrier.arrive $0xFFFF  }
0xb3: {  	p0 =	sne.s32 s0, $0x0;
	s0 =	rddreg [dreg:$0x3]  }
0xb4: {  	s0 =	sadd.s32 @!p0 $0x100000, s0  }
0xb5: {  	[sflag:s0] =	ssyncadd.tile.s32 @!p0 $0x1;
	_ =	shalt  }
.Lfunc_end2:
_tile_overlayer_lowered:
.L_overlay_start_2:
0xb6: {  	(tag) =	ssettag $0x2  }
0xb7: {  	s0 =	rddreg [dreg:$0x0];
	s2 =	stileid.u32  }
0xb8: {  	s1 =	rddreg [dreg:$0x1];
	p0 =	sne.s32 s2, $0x0  }
0xb9: {  	s3 =	rddreg [dreg:$0x2];
	[bflag:$0x3] =	sbarrier.arrive $0xFFFF;
	s2 =	simm.s32 @!p0 $0x1C03  }
0xba: {  	[timem:s3], [sflag:s2] =	dma.local @!p0 [hbm:s0], s1  }
0xbb: {  	s0 =	simm.s32 @!p0 $0x3  }
0xbc: {  	_ =	swait.ge @!p0 [sflag:s0], s1  }
0xbd: {  	s1 =	ssub.s32 @!p0 $0x0, s1;
	[sflag:s0] =	ssyncset.done @!p0 $0x0  }
0xbe: {  	[sflag:s0] =	ssyncadd.s32 @!p0 s1  }
0xbf: {  	[bflag:$0x3] =	sbarrier.arrive $0xFFFF  }
0xc0: {  	_ =	shalt  }

// kernel: kernel.14.cloned.1.call-start
scs
__scs_entry_jumppad:
0x0: {  	(pc) =	sbr.rel $0x88, $3  }
0x1: {  	(tag) =	ssettag $0x0;
	lr =	simm.s32 $0x1  }
0x2: {  	[smem:$0x3F9B] =	sst lr;
	_ =	strace $0xD0000000  }
0x3: {  	_ = 	snop  }
0x4: {  	_ = 	snop  }
0x5: {  	_ = 	snop  }
0x6: {  	_ = 	snop  }
0x7: {  	_ = 	snop  }
__scs_overlays_trampoline_lowered:
0x8: {  	[smem:$0x3FAA] =	sst s0  }
0x9: {  	[smem:$0x3FAB] =	sst s1  }
0xa: {  	[smem:$0x3FAC] =	sst s2  }
0xb: {  	[smem:$0x3FAD] =	sst s3  }
0xc: {  	[smem:$0x3FAE] =	sst s4  }
0xd: {  	[smem:$0x3FAF] =	sst s5  }
0xe: {  	[smem:$0x3FB0] =	sst s6  }
0xf: {  	[smem:$0x3FB1] =	sst s7  }
0x10: {  	[smem:$0x3FB2] =	sst s8  }
0x11: {  	[smem:$0x3FB3] =	sst s9;
	s0 =	simm.s32 @!p0 $0x0  }
0x12: {  	s1 =	sld [smem:$0x3F99];
	s0 =	simm.s32 @p0 $0x1  }
0x13: {  	[smem:$0x3FB4] =	sst s0;
	s0 =	simm.s32 @!p1 $0x0  }
0x14: {  	s2 =	sld [smem:$0x3F98];
	s0 =	simm.s32 @p1 $0x1  }
0x15: {  	[smem:$0x3FB5] =	sst s0;
	s0 =	simm.s32 @!p2 $0x0  }
0x16: {  	s3 =	sld [smem:$0x3FDB];
	s0 =	simm.s32 @p2 $0x1  }
0x17: {  	s4 =	simm.s32 $0x1BF5;
	[smem:$0x3FB7] =	sst s0  }
0x18: {  	s0 =	sld [smem:$0x3F9A];
	_ =	swait.ge [sflag:s4], $0x0  }
0x19: {  	s7 =	sld [smem:$0x3F9B]  }
0x1a: {  	s8 =	sadd.s32 $0xFFFFE003, lr  }
0x1b: {  	s9 =	sadd.s32 $0xFFFFFEF7, lr;
	s5 =	simm.s32 $0xFFFFFFFF;
	p2 =	slt.u32 s8, $0xFFFFF086  }
0x1c: {  	p1 =	slt.u32 s9, $0xF7A;
	s5 =	simm.s32 @!p2 $0x0  }
0x1d: {  	s5 =	simm.s32 @p1 $0x1;
	p0 =	seq.s32 s7, s2  }
0x1e: {  	s7 =	smul.u32 @!p0 $0xF7A, s2;
	p2 =	seq.s32 @!p0 s5, $0x0  }
0x1f: {  	s9 =	smul.u32 $0xF7A, s1;
	s8 =	simm.s32 @!p0 $0x1BF5;
	p2 =	por !p2, p0  }
0x20: {  	[sflag:s8] =	ssyncset.s32 @!p0 $0xFFFFF086;
	s6 =	sadd.s32 @!p0 s3, s7;
	s7 =	simm.s32 @!p0 $0x108  }
0x21: {  	s3 =	sadd.s32 s3, s9;
	s6 =	sadd.s32 @!p0 $0x88, s6;
	s7 =	simm.s32 @p2 $0x1082  }
0x22: {  	[simem:s7], [sflag:s8] =	dma.local @!p0 [hbm:s6], $0xF7A  }
0x23: {  	s9 =	sor.u32 $0xD0000000, s2;
	s6 =	simm.s32 $0x108;
	_ =	swait.ge @!p0 [sflag:s8], $0x0  }
0x24: {  	s3 =	sadd.s32 $0x88, s3;
	s6 =	simm.s32 @!p1 $0x1082;
	[sflag:s4] =	ssyncset.s32 $0xFFFFF086  }
0x25: {  	[simem:s6], [sflag:s4] =	dma.local [hbm:s3], $0xF7A  }
0x26: {  	[smem:$0x3F9B] =	sst s1;
	(tag) =	ssettag s2;
	_ =	strace s9  }
0x27: {  	s1 =	sld [smem:$0x3FAB]  }
0x28: {  	s2 =	sld [smem:$0x3FAC]  }
0x29: {  	s4 =	sld [smem:$0x3FAE]  }
0x2a: {  	p0 =	seq.s32 s5, $0x0;
	s5 =	sld [smem:$0x3FAF]  }
0x2b: {  	s6 =	sld [smem:$0x3FB0]  }
0x2c: {  	s7 =	sld [smem:$0x3FB1]  }
0x2d: {  	s3 =	simm.s32 $0x108;
	s8 =	sld [smem:$0x3FB2]  }
0x2e: {  	s3 =	simm.s32 @!p0 $0x1082;
	s9 =	sld [smem:$0x3FB3]  }
0x2f: {  	lr =	sadd.s32 s0, s3;
	s0 =	sld [smem:$0x3FAA]  }
0x30: {  	s3 =	sld [smem:$0x3FAD]  }
0x31: {  	[smem:$0x3FB6] =	sst s10  }
0x32: {  	s10 =	sld [smem:$0x3FB4];
	_ =	sdelay $0x3  }
0x33: {  	p0 =	seq.s32 s10, $0x1;
	s10 =	sld [smem:$0x3FB6];
	_ =	sdelay $0x3  }
0x34: {  	[smem:$0x3FB6] =	sst s10  }
0x35: {  	s10 =	sld [smem:$0x3FB5];
	_ =	sdelay $0x3  }
0x36: {  	p1 =	seq.s32 s10, $0x1;
	s10 =	sld [smem:$0x3FB6];
	_ =	sdelay $0x3  }
0x37: {  	[smem:$0x3FB6] =	sst s10  }
0x38: {  	s10 =	sld [smem:$0x3FB7]  }
0x39: {  	_ = 	snop;
	(pc) =	sbr.ind lr, $3  }
0x3a: {  	_ = 	snop  }
0x3b: {  	_ = 	snop  }
0x3c: {  	p2 =	seq.s32 s10, $0x1;
	s10 =	sld [smem:$0x3FB6]  }
0x3d: {  	_ =	shalt  }
0x3e: {  	_ =	shalt  }
0x3f: {  	_ =	shalt  }
0x40: {  	_ =	shalt  }
0x41: {  	_ =	shalt  }
0x42: {  	_ =	shalt  }
0x43: {  	_ =	shalt  }
0x44: {  	_ =	shalt  }
0x45: {  	_ =	shalt  }
0x46: {  	_ =	shalt  }
0x47: {  	_ =	shalt  }
0x48: {  	_ =	shalt  }
0x49: {  	_ =	shalt  }
0x4a: {  	_ =	shalt  }
0x4b: {  	_ =	shalt  }
0x4c: {  	_ =	shalt  }
0x4d: {  	_ =	shalt  }
0x4e: {  	_ =	shalt  }
0x4f: {  	_ =	shalt  }
0x50: {  	_ =	shalt  }
0x51: {  	_ =	shalt  }
0x52: {  	_ =	shalt  }
0x53: {  	_ =	shalt  }
0x54: {  	_ =	shalt  }
0x55: {  	_ =	shalt  }
0x56: {  	_ =	shalt  }
0x57: {  	_ =	shalt  }
0x58: {  	_ =	shalt  }
0x59: {  	_ =	shalt  }
0x5a: {  	_ =	shalt  }
0x5b: {  	_ =	shalt  }
0x5c: {  	_ =	shalt  }
0x5d: {  	_ =	shalt  }
0x5e: {  	_ =	shalt  }
0x5f: {  	_ =	shalt  }
0x60: {  	_ =	shalt  }
0x61: {  	_ =	shalt  }
0x62: {  	_ =	shalt  }
0x63: {  	_ =	shalt  }
0x64: {  	_ =	shalt  }
0x65: {  	_ =	shalt  }
0x66: {  	_ =	shalt  }
0x67: {  	_ =	shalt  }
0x68: {  	_ =	shalt  }
0x69: {  	_ =	shalt  }
0x6a: {  	_ =	shalt  }
0x6b: {  	_ =	shalt  }
0x6c: {  	_ =	shalt  }
0x6d: {  	_ =	shalt  }
0x6e: {  	_ =	shalt  }
0x6f: {  	_ =	shalt  }
0x70: {  	_ =	shalt  }
0x71: {  	_ =	shalt  }
0x72: {  	_ =	shalt  }
0x73: {  	_ =	shalt  }
0x74: {  	_ =	shalt  }
0x75: {  	_ =	shalt  }
0x76: {  	_ =	shalt  }
0x77: {  	_ =	shalt  }
0x78: {  	_ =	shalt  }
0x79: {  	_ =	shalt  }
0x7a: {  	_ =	shalt  }
0x7b: {  	_ =	shalt  }
0x7c: {  	_ =	shalt  }
0x7d: {  	_ =	shalt  }
0x7e: {  	_ =	shalt  }
0x7f: {  	_ =	shalt  }
0x80: {  	_ =	shalt  }
0x81: {  	_ =	shalt  }
0x82: {  	_ =	shalt  }
0x83: {  	_ =	shalt  }
0x84: {  	_ =	shalt  }
0x85: {  	_ =	shalt  }
0x86: {  	_ =	shalt  }
0x87: {  	_ =	shalt  }
.Lfunc_end0:
.L_simem_size_0:
called_computation.2_lowered:
.L_overlay_start_0:
0x88: {  	s2 =	sld [smem:$0x3FD9]  }
0x89: {  	s3 =	sld [smem:$0x3FFE];
	_ =	sdelay $0x1  }
0x8a: {  	s1 =	srdreg.scid  }
0x8b: {  	s0 =	sand.u32 $0x1, s1  }
0x8c: {  	s16 =	sshll.u32 s0, $0xA;
	s2 =	sadd.s32 s3, s2  }
0x8d: {  	s2 =	sadd.s32 s2, s16  }
0x8e: {  	[smem:$0x3FC2] =	sst s2  }
0x8f: {  	_ = 	snop  }
0x90: {  	(tm) =	ssettm $0x1  }
0x91: {  	s17 =	sld [smem:$0x3FFB];
	_ =	sdelay $0x3  }
0x92: {  	_ =	strace s17  }
0x93: {  	s2 =	sld [smem:$0x3FFC];
	_ =	sdelay $0x3  }
0x94: {  	_ =	strace s2  }
0x95: {  	s2 =	sld [smem:$0x3FFD];
	_ =	sdelay $0x3  }
0x96: {  	_ =	strace s2  }
0x97: {  	_ =	strace $0x8FFFFFFF  }
0x98: {  	s18 =	sld [smem:$0x3FDB];
	_ =	sdelay $0x1  }
0x99: {  	s19 =	simm.s32 $_scs_section_size  }
0x9a: {  	s4 =	simm.s32 $_size__tile_overlayer_lowered;
	s5 =	simm.s32 $_tile_overlayer_lowered  }
0x9b: {  	s22 =	simm.s32 $0x1BFF;
	s21 =	sshll.u32 s5, $0x1;
	s2 =	sadd.s32 s19, s18  }
0x9c: {  	s6 =	simm.s32 $0x0;
	s20 =	sshll.u32 s4, $0x1;
	s4 =	sadd.s32 s21, s2  }
0x9d: {  	[timem:s6], [sflag:s22] =	dma.local [hbm:s4], s20  }
0x9e: {  	_ =	swait.ge [sflag:s22], s20  }
0x9f: {  	s3 =	ssub.s32 $0x0, s20;
	[sflag:s22] =	ssyncset.done $0x0  }
0xa0: {  	[sflag:s22] =	ssyncadd.s32 s3;
	_ =	sdelay $0x1  }
0xa1: {  	s23 =	simm.s32 $0x1B8B  }
0xa2: {  	_ =	swait.ge [sflag:s23], $0x1  }
0xa3: {  	[sflag:s23] =	ssyncset.done $0x0  }
0xa4: {  	s25 =	simm.s32 $0x1B8E;
	s24 =	sld [smem:$0x3FFE];
	[sflag:s23] =	ssyncadd.s32 $0xFFFFFFFF  }
0xa5: {  	s26 =	simm.s32 $execute0_lowered;
	[smem:$0x3FD2] =	sst s25  }
0xa6: {  	s4 =	sshll.u32 s26, $0x1;
	_ =	strace $0x8000004C;
	[dreg:$0x1] =	wrdreg $0xFFFFFFFF  }
0xa7: {  	s28 =	simm.s32 $_size_execute0_lowered;
	s2 =	sadd.s32 s2, s4;
	[dreg:$0x0] =	wrdreg $0x0  }
0xa8: {  	s4 =	sshll.u32 s28, $0x1;
	[dreg:$0x2] =	wrdreg s2  }
0xa9: {  	[dreg:$0x3] =	wrdreg s4  }
0xaa: {  	[dreg:$0x4] =	wrdreg $0xC0  }
0xab: {  	_ =	task [dreg:s6], $0x5FFFF  }
0xac: {  	[dreg:$0x1] =	wrdreg $0xFFFFFFFF  }
0xad: {  	[dreg:$0x0] =	wrdreg $0x60  }
0xae: {  	[dreg:$0x2] =	wrdreg s24  }
0xaf: {  	[dreg:$0x3] =	wrdreg $0xF8000  }
0xb0: {  	[dreg:$0x4] =	wrdreg $0x80000  }
0xb1: {  	[dreg:$0x5] =	wrdreg $0x9  }
0xb2: {  	_ =	task.clear_ibuf [dreg:s6], $0x6FFFF;
	_ =	strace $0x9000004C  }
0xb3: {  	s29 =	simm.s32 $0x9;
	_ =	strace $0x8000004E  }
0xb4: {  	_ =	swait.ge [sflag:s29], $0x1  }
0xb5: {  	[sflag:s29] =	ssyncadd.s32 $0xFFFFFFFF  }
0xb6: {  	_ =	strace $0x9000004E  }
0xb7: {  	_ =	sfence  }
0xb8: {  	s30 =	sld [smem:$0x0];
	_ =	sdelay $0x2  }
0xb9: {  	s31 =	sshll.u32 s1, $0xD;
	s1 =	sshrl.u32 s1, $0x2  }
0xba: {  	s3 =	sand.u32 $0x4000, s31;
	s1 =	sadd.s32 s1, s30  }
0xbb: {  	s0 =	sor.u32 s3, s0;
	s1 =	sshll.u32 s1, $0x11  }
0xbc: {  	s0 =	sor.u32 s1, s0  }
0xbd: {  	s0 =	sadd.s32 $0x8F2B, s0  }
0xbe: {  	[sflag:s0] =	ssyncadd.remote.s32 $0x1  }
0xbf: {  	_ =	sfence.sel $0xFFFF  }
0xc0: {  	[dreg:$0x0] =	wrdreg $0xFFFFFFFF;
	(pc) =	sbr.abs _section_cstart, $3  }
0xc1: {  	[dreg:$0x1] =	wrdreg $0xFFFFFFFF  }
0xc2: {  	_ =	task.clear_ibuf [dreg:s6], $0x2FFFF;
	_ =	strace $0x9FFFFFFF  }
0xc3: {  	(tm) =	ssettm $0x7FFFFFFF  }
tec
execute0_lowered:
.L_overlay_start_1:
0x0: {  	(tag) =	ssettag $0x1  }
0x1: {  	s0 =	rddreg [dreg:$0x0]  }
0x2: {  	s2 =	rddreg [dreg:$0x1]  }
0x3: {  	s3 =	rddreg [dreg:$0x2];
	s11 =	stileid.u32  }
0x4: {  	s1 =	srdreg.scid;
	s4 =	simm.s32 $0x0;
	s13 =	simm.s32 $0x3  }
0x5: {  	s16 =	simm.s32 $0x80;
	s17 =	simm.s32 $0x5000;
	s18 =	simm.s32 $0x6800  }
0x6: {  	s19 =	simm.s32 $0x1;
	s20 =	simm.s32 $0x2;
	s21 =	simm.s32 $0x2680  }
0x7: {  	s22 =	simm.s32 $0x4E00;
	s23 =	simm.s32 $0x2700;
	s24 =	simm.s32 $0x4E80  }
0x8: {  	s25 =	simm.s32 $0x2780;
	s26 =	simm.s32 $0x4F00;
	s28 =	simm.s32 $0x4F80  }
0x9: {  	s29 =	simm.s32 $0x0;
	s7 =	smul.u32 $0x7800, s11;
	s1 =	sand.u32 $0x1, s1  }
0xa: {  	[smem:$0x7FF] =	sst s4;
	s31 =	sshll.u32 s11, $0x6;
	s5 =	sshll.u32 s1, $0x4  }
0xb: {  	s6 =	smul.u32 $0x78000, s1;
	_ =	strace $0x8000004D;
	s1 =	ssub.s32 $0x2, s1  }
0xc: {  	s8 =	sshrl.u32 s7, $0x3;
	s5 =	sor.u32 s11, s5;
	s9 =	sshrl.u32 s1, $0x1  }
0xd: {  	s12 =	sadd.s32 s7, s2;
	s14 =	sadd.s32 s7, s3;
	s5 =	smul.u32 $0x500, s5  }
0xe: {  	s6 =	sadd.s32 s7, s6;
	s8 =	sadd.s32 s8, s0;
	s1 =	ssub.s32 s1, s9  }
0xf: {  	s12 =	sshrl.u32 s12, $0x3;
	s14 =	sshrl.u32 s14, $0x3;
	s6 =	sshrl.u32 s6, $0x3  }
0x10: {  	s7 =	sadd.s32 $0xB200, s8;
	s11 =	smax.u32 s1, $0x1;
	s10 =	sadd.s32 s5, s0  }
0x11: {  	s0 =	sadd.s32 s6, s0;
	s5 =	sadd.s32 $0x1A200, s8;
	s6 =	sor.u32 $0x1C03, s31  }
0x12: {  	s8 =	sadd.s32 $0x5B200, s10;
	s9 =	sadd.s32 $0x1200, s10;
	s10 =	sadd.s32 $0x29200, s0  }
.LBB2_1:
0x13: {  	[spmem:s12], [sflag:s6] =	dma.local [hbm:s5], $0xF00  }
0x14: {  	_ =	swait.ge [sflag:s13], $0xF00  }
0x15: {  	[sflag:s13] =	ssyncset.done $0x0  }
0x16: {  	[sflag:s13] =	ssyncadd.s32 $0xFFFFF100  }
0x17: {  	[spmem:s14], [sflag:s6] =	dma.local [hbm:s7], $0xF00  }
0x18: {  	_ =	swait.ge [sflag:s13], $0xF00  }
0x19: {  	[sflag:s13] =	ssyncset.done $0x0  }
0x1a: {  	[sflag:s13] =	ssyncadd.s32 $0xFFFFF100  }
0x1b: {  	[tilespmem:s4], [sflag:$0x3] =	stream.linear.gather [hbm4b:s8+s4], $0x2800, $0x38;
	[tilespmem:$0x17000] =	vst v63  }
0x1c: {  	_ =	swait.ge [sflag:s13], $0x2800  }
0x1d: {  	[sflag:s13] =	ssyncset.done $0x0  }
0x1e: {  	s0 =	simm.s32 $0x2800;
	[sflag:s13] =	ssyncadd.s32 $0xFFFFD800  }
0x1f: {  	[tilespmem:s0], [sflag:$0x3] =	stream.linear.gather [hbm4b:s9+s4], $0x2800, $0x38;
	[tilespmem:$0x17000] =	vst v63  }
0x20: {  	_ =	swait.ge [sflag:s13], $0x2800  }
0x21: {  	[sflag:s13] =	ssyncset.done $0x0  }
0x22: {  	[sflag:s13] =	ssyncadd.s32 $0xFFFFD800  }
0x23: {  	[bflag:$0x0] =	sbarrier.arrive $0xFFFF  }
0x24: {  	[tilespmem:s17], [sflag:$0x1] =	stream.indirect.gather [spmem:s3], $0x30, s4, s16, $0xb8;
	[tilespmem:$0x17000] =	vst v63  }
0x25: {  	s1 =	simm.s32 $0x80  }
0x26: {  	[tilespmem:s18], [sflag:$0x2] =	stream.indirect.gather [spmem:s3], $0x30, s1, s16, $0xb8;
	[tilespmem:$0x17000] =	vst v63  }
0x27: {  	_ =	swait.ge [sflag:s19], $0x1800  }
0x28: {  	[sflag:s19] =	ssyncset.done $0x0  }
0x29: {  	s15 =	simm.s32 $0x2800;
	[sflag:s19] =	ssyncadd.s32 $0xFFFFE800  }
0x2a: {  	[spmem:s2] =	stream.indirect.scatter.add.f32 [tilespmem:s17], [sflag:$0x3], $0x30, s15, s16, $0xb8;
	[tilespmem:$0x17000] =	vst v63  }
0x2b: {  	_ =	swait.ge [sflag:s13], $0x1800  }
0x2c: {  	[sflag:s13] =	ssyncset.done $0x0  }
0x2d: {  	s1 =	simm.s32 $0x100;
	[sflag:s13] =	ssyncadd.s32 $0xFFFFE800  }
0x2e: {  	[tilespmem:s17], [sflag:$0x1] =	stream.indirect.gather [spmem:s3], $0x30, s1, s16, $0xb8;
	[tilespmem:$0x17000] =	vst v63  }
0x2f: {  	_ =	swait.ge [sflag:s20], $0x1800  }
0x30: {  	[sflag:s20] =	ssyncset.done $0x0  }
0x31: {  	s15 =	simm.s32 $0x2880;
	[sflag:s20] =	ssyncadd.s32 $0xFFFFE800  }
0x32: {  	[spmem:s2] =	stream.indirect.scatter.add.f32 [tilespmem:s18], [sflag:$0x3], $0x30, s15, s16, $0xb8;
	[tilespmem:$0x17000] =	vst v63  }
0x33: {  	_ =	swait.ge [sflag:s13], $0x1800  }
0x34: {  	[sflag:s13] =	ssyncset.done $0x0  }
0x35: {  	s1 =	simm.s32 $0x180;
	[sflag:s13] =	ssyncadd.s32 $0xFFFFE800  }
0x36: {  	[tilespmem:s18], [sflag:$0x2] =	stream.indirect.gather [spmem:s3], $0x30, s1, s16, $0xb8;
	[tilespmem:$0x17000] =	vst v63  }
0x37: {  	_ =	swait.ge [sflag:s19], $0x1800  }
0x38: {  	[sflag:s19] =	ssyncset.done $0x0  }
0x39: {  	s15 =	simm.s32 $0x2900;
	[sflag:s19] =	ssyncadd.s32 $0xFFFFE800  }
0x3a: {  	[spmem:s2] =	stream.indirect.scatter.add.f32 [tilespmem:s17], [sflag:$0x3], $0x30, s15, s16, $0xb8;
	[tilespmem:$0x17000] =	vst v63  }
0x3b: {  	_ =	swait.ge [sflag:s13], $0x1800  }
0x3c: {  	[sflag:s13] =	ssyncset.done $0x0  }
0x3d: {  	s1 =	simm.s32 $0x200;
	[sflag:s13] =	ssyncadd.s32 $0xFFFFE800  }
0x3e: {  	[tilespmem:s17], [sflag:$0x1] =	stream.indirect.gather [spmem:s3], $0x30, s1, s16, $0xb8;
	[tilespmem:$0x17000] =	vst v63  }
0x3f: {  	_ =	swait.ge [sflag:s20], $0x1800  }
0x40: {  	[sflag:s20] =	ssyncset.done $0x0  }
0x41: {  	s15 =	simm.s32 $0x2980;
	[sflag:s20] =	ssyncadd.s32 $0xFFFFE800  }
0x42: {  	[spmem:s2] =	stream.indirect.scatter.add.f32 [tilespmem:s18], [sflag:$0x3], $0x30, s15, s16, $0xb8;
	[tilespmem:$0x17000] =	vst v63  }
0x43: {  	_ =	swait.ge [sflag:s13], $0x1800  }
0x44: {  	s31 =	simm.s32 $0x1000;
	s30 =	simm.s32 $0x200;
	[sflag:s13] =	ssyncset.done $0x0  }
.LBB2_2:
0x45: {  	s15 =	sadd.s32 $0x80, s30  }
0x46: {  	[sflag:s13] =	ssyncadd.s32 $0xFFFFE800;
	s0 =	smov.u32 s31;
	s1 =	sadd.s32 $0x800, s31  }
0x47: {  	[tilespmem:s18], [sflag:$0x2] =	stream.indirect.gather [spmem:s3], $0x30, s15, s16, $0xb8;
	[tilespmem:$0x17000] =	vst v63  }
0x48: {  	p0 =	sne.s32 s31, $0x9000;
	_ =	swait.ge [sflag:s19], $0x1800  }
0x49: {  	[sflag:s19] =	ssyncset.done $0x0  }
0x4a: {  	s15 =	sadd.s32 $0x2800, s30;
	[sflag:s19] =	ssyncadd.s32 $0xFFFFE800  }
0x4b: {  	[spmem:s2] =	stream.indirect.scatter.add.f32 [tilespmem:s17], [sflag:$0x3], $0x30, s15, s16, $0xb8;
	[tilespmem:$0x17000] =	vst v63  }
0x4c: {  	_ =	swait.ge [sflag:s13], $0x1800  }
0x4d: {  	[sflag:s13] =	ssyncset.done $0x0  }
0x4e: {  	s15 =	sadd.s32 $0x100, s30;
	[sflag:s13] =	ssyncadd.s32 $0xFFFFE800  }
0x4f: {  	[tilespmem:s17], [sflag:$0x1] =	stream.indirect.gather [spmem:s3], $0x30, s15, s16, $0xb8;
	[tilespmem:$0x17000] =	vst v63  }
0x50: {  	_ =	swait.ge [sflag:s20], $0x1800  }
0x51: {  	[sflag:s20] =	ssyncset.done $0x0  }
0x52: {  	s15 =	sadd.s32 $0x2880, s30;
	[sflag:s20] =	ssyncadd.s32 $0xFFFFE800  }
0x53: {  	[spmem:s2] =	stream.indirect.scatter.add.f32 [tilespmem:s18], [sflag:$0x3], $0x30, s15, s16, $0xb8;
	[tilespmem:$0x17000] =	vst v63  }
0x54: {  	_ =	swait.ge [sflag:s13], $0x1800  }
0x55: {  	[sflag:s13] =	ssyncset.done $0x0  }
0x56: {  	s15 =	sadd.s32 $0x180, s30;
	[sflag:s13] =	ssyncadd.s32 $0xFFFFE800  }
0x57: {  	[tilespmem:s18], [sflag:$0x2] =	stream.indirect.gather [spmem:s3], $0x30, s15, s16, $0xb8;
	[tilespmem:$0x17000] =	vst v63  }
0x58: {  	_ =	swait.ge [sflag:s19], $0x1800  }
0x59: {  	[sflag:s19] =	ssyncset.done $0x0  }
0x5a: {  	s15 =	sadd.s32 $0x2900, s30;
	[sflag:s19] =	ssyncadd.s32 $0xFFFFE800  }
0x5b: {  	[spmem:s2] =	stream.indirect.scatter.add.f32 [tilespmem:s17], [sflag:$0x3], $0x30, s15, s16, $0xb8;
	[tilespmem:$0x17000] =	vst v63  }
0x5c: {  	_ =	swait.ge [sflag:s13], $0x1800  }
0x5d: {  	[sflag:s13] =	ssyncset.done $0x0  }
0x5e: {  	s15 =	sadd.s32 $0x200, s30;
	[sflag:s13] =	ssyncadd.s32 $0xFFFFE800  }
0x5f: {  	[tilespmem:s17], [sflag:$0x1] =	stream.indirect.gather [spmem:s3], $0x30, s15, s16, $0xb8;
	[tilespmem:$0x17000] =	vst v63  }
0x60: {  	_ =	swait.ge [sflag:s20], $0x1800  }
.Ltmp0:
0x61: {  	[sflag:s20] =	ssyncset.done $0x0;
	(pc) =	sbr.rel @p0 .LBB2_2-.Ltmp0, $4  }
0x62: {  	s15 =	sadd.s32 $0x2980, s30;
	[sflag:s20] =	ssyncadd.s32 $0xFFFFE800  }
0x63: {  	[spmem:s2] =	stream.indirect.scatter.add.f32 [tilespmem:s18], [sflag:$0x3], $0x30, s15, s16, $0xb8;
	[tilespmem:$0x17000] =	vst v63  }
0x64: {  	_ =	swait.ge [sflag:s13], $0x1800  }
0x65: {  	s31 =	smov.u32 s1;
	s30 =	sshra.s32 s0, $0x2;
	[sflag:s13] =	ssyncset.done $0x0  }
0x66: {  	s0 =	sadd.s32 $0x80, s30;
	[sflag:s13] =	ssyncadd.s32 $0xFFFFE800  }
0x67: {  	[tilespmem:s18], [sflag:$0x2] =	stream.indirect.gather [spmem:s3], $0x30, s0, s16, $0xb8;
	[tilespmem:$0x17000] =	vst v63  }
0x68: {  	_ =	swait.ge [sflag:s19], $0x1800  }
0x69: {  	[sflag:s19] =	ssyncset.done $0x0  }
0x6a: {  	s31 =	sadd.s32 $0x2800, s30;
	[sflag:s19] =	ssyncadd.s32 $0xFFFFE800  }
0x6b: {  	[spmem:s2] =	stream.indirect.scatter.add.f32 [tilespmem:s17], [sflag:$0x3], $0x30, s31, s16, $0xb8;
	[tilespmem:$0x17000] =	vst v63  }
0x6c: {  	_ =	swait.ge [sflag:s13], $0x1800  }
0x6d: {  	[sflag:s13] =	ssyncset.done $0x0  }
0x6e: {  	s1 =	sadd.s32 $0x100, s30;
	[sflag:s13] =	ssyncadd.s32 $0xFFFFE800  }
0x6f: {  	[tilespmem:s17], [sflag:$0x1] =	stream.indirect.gather [spmem:s3], $0x30, s1, s16, $0xb8;
	[tilespmem:$0x17000] =	vst v63  }
0x70: {  	_ =	swait.ge [sflag:s20], $0x1800  }
0x71: {  	[sflag:s20] =	ssyncset.done $0x0  }
0x72: {  	s15 =	sadd.s32 $0x2880, s30;
	[sflag:s20] =	ssyncadd.s32 $0xFFFFE800  }
0x73: {  	[spmem:s2] =	stream.indirect.scatter.add.f32 [tilespmem:s18], [sflag:$0x3], $0x30, s15, s16, $0xb8;
	[tilespmem:$0x17000] =	vst v63  }
0x74: {  	_ =	swait.ge [sflag:s13], $0x1800  }
0x75: {  	[sflag:s13] =	ssyncset.done $0x0  }
0x76: {  	s31 =	sadd.s32 $0x180, s30;
	[sflag:s13] =	ssyncadd.s32 $0xFFFFE800  }
0x77: {  	[tilespmem:s18], [sflag:$0x2] =	stream.indirect.gather [spmem:s3], $0x30, s31, s16, $0xb8;
	[tilespmem:$0x17000] =	vst v63  }
0x78: {  	_ =	swait.ge [sflag:s19], $0x1800  }
0x79: {  	[sflag:s19] =	ssyncset.done $0x0  }
0x7a: {  	s1 =	sadd.s32 $0x2900, s30;
	[sflag:s19] =	ssyncadd.s32 $0xFFFFE800  }
0x7b: {  	[spmem:s2] =	stream.indirect.scatter.add.f32 [tilespmem:s17], [sflag:$0x3], $0x30, s1, s16, $0xb8;
	[tilespmem:$0x17000] =	vst v63  }
0x7c: {  	_ =	swait.ge [sflag:s13], $0x1800  }
0x7d: {  	[sflag:s13] =	ssyncset.done $0x0  }
0x7e: {  	s15 =	sadd.s32 $0x200, s30;
	[sflag:s13] =	ssyncadd.s32 $0xFFFFE800  }
0x7f: {  	[tilespmem:s17], [sflag:$0x1] =	stream.indirect.gather [spmem:s3], $0x30, s15, s16, $0xb8;
	[tilespmem:$0x17000] =	vst v63  }
0x80: {  	_ =	swait.ge [sflag:s20], $0x1800  }
0x81: {  	[sflag:s20] =	ssyncset.done $0x0  }
0x82: {  	s31 =	sadd.s32 $0x2980, s30;
	[sflag:s20] =	ssyncadd.s32 $0xFFFFE800  }
0x83: {  	[spmem:s2] =	stream.indirect.scatter.add.f32 [tilespmem:s18], [sflag:$0x3], $0x30, s31, s16, $0xb8;
	[tilespmem:$0x17000] =	vst v63  }
0x84: {  	_ =	swait.ge [sflag:s13], $0x1800  }
0x85: {  	[sflag:s13] =	ssyncset.done $0x0  }
0x86: {  	[sflag:s13] =	ssyncadd.s32 $0xFFFFE800  }
0x87: {  	[tilespmem:s18], [sflag:$0x2] =	stream.indirect.gather [spmem:s3], $0x30, s21, s16, $0xb8;
	[tilespmem:$0x17000] =	vst v63  }
0x88: {  	_ =	swait.ge [sflag:s19], $0x1800  }
0x89: {  	[sflag:s19] =	ssyncset.done $0x0  }
0x8a: {  	[sflag:s19] =	ssyncadd.s32 $0xFFFFE800  }
0x8b: {  	[spmem:s2] =	stream.indirect.scatter.add.f32 [tilespmem:s17], [sflag:$0x3], $0x30, s22, s16, $0xb8;
	[tilespmem:$0x17000] =	vst v63  }
0x8c: {  	_ =	swait.ge [sflag:s13], $0x1800  }
0x8d: {  	[sflag:s13] =	ssyncset.done $0x0  }
0x8e: {  	[sflag:s13] =	ssyncadd.s32 $0xFFFFE800  }
0x8f: {  	[tilespmem:s17], [sflag:$0x1] =	stream.indirect.gather [spmem:s3], $0x30, s23, s16, $0xb8;
	[tilespmem:$0x17000] =	vst v63  }
0x90: {  	_ =	swait.ge [sflag:s20], $0x1800  }
0x91: {  	[sflag:s20] =	ssyncset.done $0x0  }
0x92: {  	[sflag:s20] =	ssyncadd.s32 $0xFFFFE800  }
0x93: {  	[spmem:s2] =	stream.indirect.scatter.add.f32 [tilespmem:s18], [sflag:$0x3], $0x30, s24, s16, $0xb8;
	[tilespmem:$0x17000] =	vst v63  }
0x94: {  	_ =	swait.ge [sflag:s13], $0x1800  }
0x95: {  	[sflag:s13] =	ssyncset.done $0x0  }
0x96: {  	[sflag:s13] =	ssyncadd.s32 $0xFFFFE800  }
0x97: {  	[tilespmem:s18], [sflag:$0x2] =	stream.indirect.gather [spmem:s3], $0x30, s25, s16, $0xb8;
	[tilespmem:$0x17000] =	vst v63  }
0x98: {  	_ =	swait.ge [sflag:s19], $0x1800  }
0x99: {  	[sflag:s19] =	ssyncset.done $0x0  }
0x9a: {  	[sflag:s19] =	ssyncadd.s32 $0xFFFFE800  }
0x9b: {  	[spmem:s2] =	stream.indirect.scatter.add.f32 [tilespmem:s17], [sflag:$0x3], $0x30, s26, s16, $0xb8;
	[tilespmem:$0x17000] =	vst v63  }
0x9c: {  	_ =	swait.ge [sflag:s13], $0x1800  }
0x9d: {  	[sflag:s13] =	ssyncset.done $0x0  }
0x9e: {  	[sflag:s13] =	ssyncadd.s32 $0xFFFFE800  }
0x9f: {  	[tilespmem:s17], [sflag:$0x1] =	stream.indirect.gather [spmem:s3], $0x30, s25, s16, $0xb8;
	[tilespmem:$0x17000] =	vst v63  }
0xa0: {  	_ =	swait.ge [sflag:s20], $0x1800  }
0xa1: {  	[sflag:s20] =	ssyncset.done $0x0  }
0xa2: {  	[sflag:s20] =	ssyncadd.s32 $0xFFFFE800  }
0xa3: {  	[spmem:s2] =	stream.indirect.scatter.add.f32 [tilespmem:s18], [sflag:$0x3], $0x30, s28, s16, $0xb8;
	[tilespmem:$0x17000] =	vst v63  }
0xa4: {  	_ =	swait.ge [sflag:s13], $0x1800  }
0xa5: {  	[sflag:s13] =	ssyncset.done $0x0  }
0xa6: {  	[sflag:s13] =	ssyncadd.s32 $0xFFFFE800  }
0xa7: {  	_ =	swait.ge [sflag:s19], $0x1800  }
0xa8: {  	s29 =	sadd.s32 $0x1, s29;
	[sflag:s19] =	ssyncset.done $0x0  }
0xa9: {  	p0 =	sne.s32 s29, s11;
	[sflag:s19] =	ssyncadd.s32 $0xFFFFE800  }
.Ltmp1:
0xaa: {  	[bflag:$0x0] =	sbarrier.arrive $0xFFFF;
	(pc) =	sbr.rel @p0 .LBB2_1-.Ltmp1, $4  }
0xab: {  	[hbm:s10], [sflag:s6] =	dma.local [spmem:s12], $0xF00  }
0xac: {  	_ =	swait.ge [sflag:s13], $0xF00  }
0xad: {  	[sflag:s13] =	ssyncset.done $0x0  }
0xae: {  	[sflag:s13] =	ssyncadd.s32 $0xFFFFF100  }
0xaf: {  	_ =	sfence.sel $0x180000  }
0xb0: {  	[bflag:$0x0] =	sbarrier.arrive $0xFFFF  }
0xb1: {  	_ =	strace $0x9000004D  }
0xb2: {  	s0 =	stileid.u32;
	[bflag:$0x2] =	sbarrier.arrive $0xFFFF  }
0xb3: {  	p0 =	sne.s32 s0, $0x0;
	s0 =	rddreg [dreg:$0x3]  }
0xb4: {  	s0 =	sadd.s32 @!p0 $0x100000, s0  }
0xb5: {  	[sflag:s0] =	ssyncadd.tile.s32 @!p0 $0x1;
	_ =	shalt  }
.Lfunc_end2:
_tile_overlayer_lowered:
.L_overlay_start_2:
0xb6: {  	(tag) =	ssettag $0x2  }
0xb7: {  	s0 =	rddreg [dreg:$0x0];
	s2 =	stileid.u32  }
0xb8: {  	s1 =	rddreg [dreg:$0x1];
	p0 =	sne.s32 s2, $0x0  }
0xb9: {  	s3 =	rddreg [dreg:$0x2];
	[bflag:$0x3] =	sbarrier.arrive $0xFFFF;
	s2 =	simm.s32 @!p0 $0x1C03  }
0xba: {  	[timem:s3], [sflag:s2] =	dma.local @!p0 [hbm:s0], s1  }
0xbb: {  	s0 =	simm.s32 @!p0 $0x3  }
0xbc: {  	_ =	swait.ge @!p0 [sflag:s0], s1  }
0xbd: {  	s1 =	ssub.s32 @!p0 $0x0, s1;
	[sflag:s0] =	ssyncset.done @!p0 $0x0  }
0xbe: {  	[sflag:s0] =	ssyncadd.s32 @!p0 s1  }
0xbf: {  	[bflag:$0x3] =	sbarrier.arrive $0xFFFF  }
0xc0: {  	_ =	shalt  }

// kernel: kernel.8.cloned.1.call-start
scs
__scs_entry_jumppad:
0x0: {  	(pc) =	sbr.rel $0x88, $3  }
0x1: {  	(tag) =	ssettag $0x0;
	lr =	simm.s32 $0x1  }
0x2: {  	[smem:$0x3F9B] =	sst lr;
	_ =	strace $0xD0000000  }
0x3: {  	_ = 	snop  }
0x4: {  	_ = 	snop  }
0x5: {  	_ = 	snop  }
0x6: {  	_ = 	snop  }
0x7: {  	_ = 	snop  }
__scs_overlays_trampoline_lowered:
0x8: {  	[smem:$0x3FAA] =	sst s0  }
0x9: {  	[smem:$0x3FAB] =	sst s1  }
0xa: {  	[smem:$0x3FAC] =	sst s2  }
0xb: {  	[smem:$0x3FAD] =	sst s3  }
0xc: {  	[smem:$0x3FAE] =	sst s4  }
0xd: {  	[smem:$0x3FAF] =	sst s5  }
0xe: {  	[smem:$0x3FB0] =	sst s6  }
0xf: {  	[smem:$0x3FB1] =	sst s7  }
0x10: {  	[smem:$0x3FB2] =	sst s8  }
0x11: {  	[smem:$0x3FB3] =	sst s9;
	s0 =	simm.s32 @!p0 $0x0  }
0x12: {  	s1 =	sld [smem:$0x3F99];
	s0 =	simm.s32 @p0 $0x1  }
0x13: {  	[smem:$0x3FB4] =	sst s0;
	s0 =	simm.s32 @!p1 $0x0  }
0x14: {  	s2 =	sld [smem:$0x3F98];
	s0 =	simm.s32 @p1 $0x1  }
0x15: {  	[smem:$0x3FB5] =	sst s0;
	s0 =	simm.s32 @!p2 $0x0  }
0x16: {  	s3 =	sld [smem:$0x3FDB];
	s0 =	simm.s32 @p2 $0x1  }
0x17: {  	s4 =	simm.s32 $0x1BF5;
	[smem:$0x3FB7] =	sst s0  }
0x18: {  	s0 =	sld [smem:$0x3F9A];
	_ =	swait.ge [sflag:s4], $0x0  }
0x19: {  	s7 =	sld [smem:$0x3F9B]  }
0x1a: {  	s8 =	sadd.s32 $0xFFFFE003, lr  }
0x1b: {  	s9 =	sadd.s32 $0xFFFFFEF7, lr;
	s5 =	simm.s32 $0xFFFFFFFF;
	p2 =	slt.u32 s8, $0xFFFFF086  }
0x1c: {  	p1 =	slt.u32 s9, $0xF7A;
	s5 =	simm.s32 @!p2 $0x0  }
0x1d: {  	s5 =	simm.s32 @p1 $0x1;
	p0 =	seq.s32 s7, s2  }
0x1e: {  	s7 =	smul.u32 @!p0 $0xF7A, s2;
	p2 =	seq.s32 @!p0 s5, $0x0  }
0x1f: {  	s9 =	smul.u32 $0xF7A, s1;
	s8 =	simm.s32 @!p0 $0x1BF5;
	p2 =	por !p2, p0  }
0x20: {  	[sflag:s8] =	ssyncset.s32 @!p0 $0xFFFFF086;
	s6 =	sadd.s32 @!p0 s3, s7;
	s7 =	simm.s32 @!p0 $0x108  }
0x21: {  	s3 =	sadd.s32 s3, s9;
	s6 =	sadd.s32 @!p0 $0x88, s6;
	s7 =	simm.s32 @p2 $0x1082  }
0x22: {  	[simem:s7], [sflag:s8] =	dma.local @!p0 [hbm:s6], $0xF7A  }
0x23: {  	s9 =	sor.u32 $0xD0000000, s2;
	s6 =	simm.s32 $0x108;
	_ =	swait.ge @!p0 [sflag:s8], $0x0  }
0x24: {  	s3 =	sadd.s32 $0x88, s3;
	s6 =	simm.s32 @!p1 $0x1082;
	[sflag:s4] =	ssyncset.s32 $0xFFFFF086  }
0x25: {  	[simem:s6], [sflag:s4] =	dma.local [hbm:s3], $0xF7A  }
0x26: {  	[smem:$0x3F9B] =	sst s1;
	(tag) =	ssettag s2;
	_ =	strace s9  }
0x27: {  	s1 =	sld [smem:$0x3FAB]  }
0x28: {  	s2 =	sld [smem:$0x3FAC]  }
0x29: {  	s4 =	sld [smem:$0x3FAE]  }
0x2a: {  	p0 =	seq.s32 s5, $0x0;
	s5 =	sld [smem:$0x3FAF]  }
0x2b: {  	s6 =	sld [smem:$0x3FB0]  }
0x2c: {  	s7 =	sld [smem:$0x3FB1]  }
0x2d: {  	s3 =	simm.s32 $0x108;
	s8 =	sld [smem:$0x3FB2]  }
0x2e: {  	s3 =	simm.s32 @!p0 $0x1082;
	s9 =	sld [smem:$0x3FB3]  }
0x2f: {  	lr =	sadd.s32 s0, s3;
	s0 =	sld [smem:$0x3FAA]  }
0x30: {  	s3 =	sld [smem:$0x3FAD]  }
0x31: {  	[smem:$0x3FB6] =	sst s10  }
0x32: {  	s10 =	sld [smem:$0x3FB4];
	_ =	sdelay $0x3  }
0x33: {  	p0 =	seq.s32 s10, $0x1;
	s10 =	sld [smem:$0x3FB6];
	_ =	sdelay $0x3  }
0x34: {  	[smem:$0x3FB6] =	sst s10  }
0x35: {  	s10 =	sld [smem:$0x3FB5];
	_ =	sdelay $0x3  }
0x36: {  	p1 =	seq.s32 s10, $0x1;
	s10 =	sld [smem:$0x3FB6];
	_ =	sdelay $0x3  }
0x37: {  	[smem:$0x3FB6] =	sst s10  }
0x38: {  	s10 =	sld [smem:$0x3FB7]  }
0x39: {  	_ = 	snop;
	(pc) =	sbr.ind lr, $3  }
0x3a: {  	_ = 	snop  }
0x3b: {  	_ = 	snop  }
0x3c: {  	p2 =	seq.s32 s10, $0x1;
	s10 =	sld [smem:$0x3FB6]  }
0x3d: {  	_ =	shalt  }
0x3e: {  	_ =	shalt  }
0x3f: {  	_ =	shalt  }
0x40: {  	_ =	shalt  }
0x41: {  	_ =	shalt  }
0x42: {  	_ =	shalt  }
0x43: {  	_ =	shalt  }
0x44: {  	_ =	shalt  }
0x45: {  	_ =	shalt  }
0x46: {  	_ =	shalt  }
0x47: {  	_ =	shalt  }
0x48: {  	_ =	shalt  }
0x49: {  	_ =	shalt  }
0x4a: {  	_ =	shalt  }
0x4b: {  	_ =	shalt  }
0x4c: {  	_ =	shalt  }
0x4d: {  	_ =	shalt  }
0x4e: {  	_ =	shalt  }
0x4f: {  	_ =	shalt  }
0x50: {  	_ =	shalt  }
0x51: {  	_ =	shalt  }
0x52: {  	_ =	shalt  }
0x53: {  	_ =	shalt  }
0x54: {  	_ =	shalt  }
0x55: {  	_ =	shalt  }
0x56: {  	_ =	shalt  }
0x57: {  	_ =	shalt  }
0x58: {  	_ =	shalt  }
0x59: {  	_ =	shalt  }
0x5a: {  	_ =	shalt  }
0x5b: {  	_ =	shalt  }
0x5c: {  	_ =	shalt  }
0x5d: {  	_ =	shalt  }
0x5e: {  	_ =	shalt  }
0x5f: {  	_ =	shalt  }
0x60: {  	_ =	shalt  }
0x61: {  	_ =	shalt  }
0x62: {  	_ =	shalt  }
0x63: {  	_ =	shalt  }
0x64: {  	_ =	shalt  }
0x65: {  	_ =	shalt  }
0x66: {  	_ =	shalt  }
0x67: {  	_ =	shalt  }
0x68: {  	_ =	shalt  }
0x69: {  	_ =	shalt  }
0x6a: {  	_ =	shalt  }
0x6b: {  	_ =	shalt  }
0x6c: {  	_ =	shalt  }
0x6d: {  	_ =	shalt  }
0x6e: {  	_ =	shalt  }
0x6f: {  	_ =	shalt  }
0x70: {  	_ =	shalt  }
0x71: {  	_ =	shalt  }
0x72: {  	_ =	shalt  }
0x73: {  	_ =	shalt  }
0x74: {  	_ =	shalt  }
0x75: {  	_ =	shalt  }
0x76: {  	_ =	shalt  }
0x77: {  	_ =	shalt  }
0x78: {  	_ =	shalt  }
0x79: {  	_ =	shalt  }
0x7a: {  	_ =	shalt  }
0x7b: {  	_ =	shalt  }
0x7c: {  	_ =	shalt  }
0x7d: {  	_ =	shalt  }
0x7e: {  	_ =	shalt  }
0x7f: {  	_ =	shalt  }
0x80: {  	_ =	shalt  }
0x81: {  	_ =	shalt  }
0x82: {  	_ =	shalt  }
0x83: {  	_ =	shalt  }
0x84: {  	_ =	shalt  }
0x85: {  	_ =	shalt  }
0x86: {  	_ =	shalt  }
0x87: {  	_ =	shalt  }
.Lfunc_end0:
.L_simem_size_0:
called_computation_lowered:
.L_overlay_start_0:
0x88: {  	s2 =	sld [smem:$0x3FD9]  }
0x89: {  	s3 =	sld [smem:$0x3FFE];
	_ =	sdelay $0x1  }
0x8a: {  	s1 =	srdreg.scid  }
0x8b: {  	s0 =	sand.u32 $0x1, s1  }
0x8c: {  	s17 =	sshll.u32 s0, $0xA;
	s2 =	sadd.s32 s3, s2  }
0x8d: {  	s2 =	sadd.s32 s2, s17  }
0x8e: {  	[smem:$0x3FC2] =	sst s2  }
0x8f: {  	_ = 	snop  }
0x90: {  	s2 =	sld [smem:$0x3FD0];
	(tm) =	ssettm $0x1  }
0x91: {  	s18 =	sld [smem:$0x3FFB];
	_ =	sdelay $0x3  }
0x92: {  	_ =	strace s18  }
0x93: {  	s3 =	sld [smem:$0x3FFC];
	_ =	sdelay $0x3  }
0x94: {  	_ =	strace s3  }
0x95: {  	s3 =	sld [smem:$0x3FFD];
	_ =	sdelay $0x3  }
0x96: {  	_ =	strace s3  }
0x97: {  	_ =	strace $0x8FFFFFFF  }
0x98: {  	s19 =	sld [smem:$0x3FDB];
	_ =	sdelay $0x1  }
0x99: {  	s4 =	simm.s32 $_scs_section_size  }
0x9a: {  	s5 =	simm.s32 $_size__tile_overlayer_lowered;
	s6 =	simm.s32 $_tile_overlayer_lowered  }
0x9b: {  	s22 =	simm.s32 $0x1BFF;
	s21 =	sshll.u32 s6, $0x1;
	s3 =	sadd.s32 s4, s19  }
0x9c: {  	s7 =	simm.s32 $0x0;
	s20 =	sshll.u32 s5, $0x1;
	s5 =	sadd.s32 s21, s3  }
0x9d: {  	[timem:s7], [sflag:s22] =	dma.local [hbm:s5], s20  }
0x9e: {  	_ =	swait.ge [sflag:s22], s20  }
0x9f: {  	s4 =	ssub.s32 $0x0, s20;
	[sflag:s22] =	ssyncset.done $0x0  }
0xa0: {  	[sflag:s22] =	ssyncadd.s32 s4;
	_ =	sdelay $0x1  }
0xa1: {  	s23 =	simm.s32 $0x1B8B  }
0xa2: {  	_ =	swait.ge [sflag:s23], $0x1  }
0xa3: {  	[sflag:s23] =	ssyncset.done $0x0  }
0xa4: {  	s25 =	simm.s32 $0x1B8E;
	s24 =	sld [smem:$0x3FFE];
	[sflag:s23] =	ssyncadd.s32 $0xFFFFFFFF  }
0xa5: {  	s26 =	simm.s32 $execute0_lowered;
	[smem:$0x3FD2] =	sst s25  }
0xa6: {  	s5 =	sshll.u32 s26, $0x1;
	_ =	strace $0x80000046;
	[dreg:$0x1] =	wrdreg $0xFFFFFFFF  }
0xa7: {  	s28 =	simm.s32 $_size_execute0_lowered;
	s3 =	sadd.s32 s3, s5;
	[dreg:$0x0] =	wrdreg $0x0  }
0xa8: {  	s5 =	sshll.u32 s28, $0x1;
	[dreg:$0x2] =	wrdreg s3  }
0xa9: {  	[dreg:$0x3] =	wrdreg s5  }
0xaa: {  	[dreg:$0x4] =	wrdreg $0xC0  }
0xab: {  	_ =	task [dreg:s7], $0x5FFFF  }
0xac: {  	[dreg:$0x1] =	wrdreg $0xFFFFFFFF  }
0xad: {  	[dreg:$0x0] =	wrdreg $0x60  }
0xae: {  	[dreg:$0x2] =	wrdreg s2  }
0xaf: {  	[dreg:$0x3] =	wrdreg s24  }
0xb0: {  	[dreg:$0x4] =	wrdreg $0x9  }
0xb1: {  	_ =	task.clear_ibuf [dreg:s7], $0x5FFFF;
	_ =	strace $0x90000046  }
0xb2: {  	s29 =	simm.s32 $0x9;
	_ =	strace $0x80000048  }
0xb3: {  	_ =	swait.ge [sflag:s29], $0x1  }
0xb4: {  	[sflag:s29] =	ssyncadd.s32 $0xFFFFFFFF  }
0xb5: {  	_ =	strace $0x90000048  }
0xb6: {  	_ =	sfence  }
0xb7: {  	s30 =	sld [smem:$0x0];
	_ =	sdelay $0x2  }
0xb8: {  	s31 =	sshll.u32 s1, $0xD;
	s1 =	sshrl.u32 s1, $0x2  }
0xb9: {  	s3 =	sand.u32 $0x4000, s31;
	s1 =	sadd.s32 s1, s30  }
0xba: {  	s0 =	sor.u32 s3, s0;
	s1 =	sshll.u32 s1, $0x11  }
0xbb: {  	s0 =	sor.u32 s1, s0  }
0xbc: {  	s0 =	sadd.s32 $0x8F2B, s0  }
0xbd: {  	[sflag:s0] =	ssyncadd.remote.s32 $0x1  }
0xbe: {  	_ =	sfence.sel $0xFFFF  }
0xbf: {  	[dreg:$0x0] =	wrdreg $0xFFFFFFFF;
	(pc) =	sbr.abs _section_cstart, $3  }
0xc0: {  	[dreg:$0x1] =	wrdreg $0xFFFFFFFF  }
0xc1: {  	_ =	task.clear_ibuf [dreg:s7], $0x2FFFF;
	_ =	strace $0x9FFFFFFF  }
0xc2: {  	(tm) =	ssettm $0x7FFFFFFF  }
0xc3: {  	_ =	shalt  }
tec
execute0_lowered:
.L_overlay_start_1:
0x0: {  	(tag) =	ssettag $0x1  }
0x1: {  	s0 =	srdreg.scid  }
0x2: {  	s4 =	rddreg [dreg:$0x0];
	s3 =	sand.u32 $0x1, s0  }
0x3: {  	s5 =	rddreg [dreg:$0x1];
	s0 =	stileid.u32;
	s1 =	sshll.u32 s3, $0x4  }
0x4: {  	s2 =	simm.s32 $0x0;
	s9 =	simm.s32 $0x2800;
	s6 =	sor.u32 s0, s1  }
0x5: {  	s10 =	simm.s32 $0x0;
	[smem:$0x7FF] =	sst s2;
	s7 =	sshrl.u32 s6, $0x3  }
0x6: {  	s8 =	sshll.u32 s0, $0x7;
	s3 =	ssub.s32 $0x2, s3;
	s7 =	smul.u32 $0x14000, s7  }
0x7: {  	s1 =	rddreg [dreg:$0x2];
	s8 =	sand.u32 $0x380, s8;
	s6 =	smul.u32 $0x2800, s6  }
0x8: {  	_ =	strace $0x80000047;
	s31 =	sshrl.u32 s3, $0x1;
	s7 =	sor.u32 s8, s7  }
0x9: {  	s5 =	sadd.s32 s6, s5;
	s6 =	ssub.s32 s3, s31;
	s7 =	sshrl.u32 s7, $0x3  }
0xa: {  	s8 =	simm.s32 $0x1;
	s3 =	sadd.s32 s4, s7;
	s4 =	sadd.s32 $0xB200, s5  }
0xb: {  	v0 =	vimm.f32 $0.0e+00;
	v1 =	vimm.f32 $1.000000000e+00;
	s5 =	smax.u32 s6, $0x1;
	s6 =	simm.s32 $0x80;
	s7 =	simm.s32 $0x400  }
.LBB2_1:
0xc: {  	[tilespmem:s2], [sflag:$0x1] =	stream.strided.gather [hbm4b:s3+s6], $0x2800, s7, s6, $0x38;
	[tilespmem:$0x16800] =	vst v63  }
0xd: {  	_ =	swait.ge [sflag:s8], $0x2800  }
0xe: {  	[sflag:s8] =	ssyncset.done $0x0  }
0xf: {  	s11 =	simm.s32 $0x0;
	[sflag:s8] =	ssyncadd.s32 $0xFFFFD800  }
.LBB2_2:
0x10: {  	p0 =	sne.s32 s11, $0x4FE00  }
.Ltmp0:
0x11: {  	_ = 	snop;
	(pc) =	sbr.rel @p0 .LBB2_2-.Ltmp0, $3  }
0x12: {  	_ =	sdelay $0x1  }
0x13: {  	s12 =	sshra.s32 s11, $0x2  }
0x14: {  	s11 =	sadd.s32 $0x200, s11;
	[tilespmem:s12+$0x2800] =	vst v0  }
0x15: {  	s11 =	simm.s32 $0x0  }
.LBB2_4:
0x16: {  	s12 =	sshra.s32 s11, $0x2  }
0x17: {  	v2 =	vld [tilespmem:s12+$0x0];
	_ =	sdelay $0x4  }
0x18: {  	v3 =	vshll.u32 v2, $0x3  }
0x19: {  	v2 =	vand.u32 $0xF, v2;
	v3 =	vand.u32 $0xFFFFFF80, v3  }
0x1a: {  	v2 =	vor.u32 v2, v3;
	_ =	sdelay $0x4  }
0x1b: {  	[tilespmem:v2+s9+$0x0] =	vst.idx.add.f32.msk $0xffff, v1  }
0x1c: {  	v2 =	vld [tilespmem:s12+$0x10];
	_ =	sdelay $0x4  }
0x1d: {  	v3 =	vshll.u32 v2, $0x3  }
0x1e: {  	v2 =	vand.u32 $0xF, v2;
	v3 =	vand.u32 $0xFFFFFF80, v3  }
0x1f: {  	v2 =	vor.u32 v2, v3;
	_ =	sdelay $0x4  }
0x20: {  	[tilespmem:v2+s9+$0x0] =	vst.idx.add.f32.msk $0xffff, v1  }
0x21: {  	v2 =	vld [tilespmem:s12+$0x20];
	_ =	sdelay $0x4  }
0x22: {  	v3 =	vshll.u32 v2, $0x3  }
0x23: {  	v2 =	vand.u32 $0xF, v2;
	v3 =	vand.u32 $0xFFFFFF80, v3  }
0x24: {  	v2 =	vor.u32 v2, v3;
	_ =	sdelay $0x4  }
0x25: {  	[tilespmem:v2+s9+$0x0] =	vst.idx.add.f32.msk $0xffff, v1  }
0x26: {  	v2 =	vld [tilespmem:s12+$0x30];
	_ =	sdelay $0x4  }
0x27: {  	v3 =	vshll.u32 v2, $0x3  }
0x28: {  	v2 =	vand.u32 $0xF, v2;
	v3 =	vand.u32 $0xFFFFFF80, v3  }
0x29: {  	p0 =	sne.s32 s11, $0x9F00;
	v2 =	vor.u32 v2, v3  }
.Ltmp1:
0x2a: {  	_ = 	snop;
	(pc) =	sbr.rel @p0 .LBB2_4-.Ltmp1, $2  }
0x2b: {  	_ =	sdelay $0x2  }
0x2c: {  	s11 =	sadd.s32 $0x100, s11;
	[tilespmem:v2+s9+$0x0] =	vst.idx.add.f32.msk $0xffff, v1  }
0x2d: {  	s10 =	sadd.s32 $0x1, s10  }
0x2e: {  	p0 =	sne.s32 s10, s5  }
.Ltmp2:
0x2f: {  	_ = 	snop;
	(pc) =	sbr.rel @p0 .LBB2_1-.Ltmp2, $4  }
0x30: {  	[hbm4b:s4+s2] =	stream.linear.scatter [tilespmem:s9], [sflag:$0x1], $0x14000, $0x38;
	[tilespmem:$0x16800] =	vst v63  }
0x31: {  	_ =	swait.ge [sflag:s8], $0x14000  }
0x32: {  	[sflag:s8] =	ssyncset.done $0x0  }
0x33: {  	[sflag:s8] =	ssyncadd.s32 $0xFFFEC000  }
0x34: {  	_ =	sfence.sel $0x180000  }
0x35: {  	[bflag:$0x0] =	sbarrier.arrive $0xFFFF  }
0x36: {  	p0 =	sne.s32 s0, $0x0;
	_ =	strace $0x90000047  }
0x37: {  	s0 =	sadd.s32 @!p0 $0x100000, s1;
	[bflag:$0x2] =	sbarrier.arrive $0xFFFF  }
0x38: {  	[sflag:s0] =	ssyncadd.tile.s32 @!p0 $0x1;
	_ =	shalt  }
.Lfunc_end2:
_tile_overlayer_lowered:
.L_overlay_start_2:
0x39: {  	(tag) =	ssettag $0x2  }
0x3a: {  	s0 =	rddreg [dreg:$0x0];
	s2 =	stileid.u32  }
0x3b: {  	s1 =	rddreg [dreg:$0x1];
	p0 =	sne.s32 s2, $0x0  }
0x3c: {  	s3 =	rddreg [dreg:$0x2];
	[bflag:$0x3] =	sbarrier.arrive $0xFFFF;
	s2 =	simm.s32 @!p0 $0x1C01  }
0x3d: {  	[timem:s3], [sflag:s2] =	dma.local @!p0 [hbm:s0], s1  }
0x3e: {  	s0 =	simm.s32 @!p0 $0x1  }
0x3f: {  	_ =	swait.ge @!p0 [sflag:s0], s1  }
0x40: {  	s1 =	ssub.s32 @!p0 $0x0, s1;
	[sflag:s0] =	ssyncset.done @!p0 $0x0  }
0x41: {  	[sflag:s0] =	ssyncadd.s32 @!p0 s1  }
0x42: {  	[bflag:$0x3] =	sbarrier.arrive $0xFFFF  }
0x43: {  	_ =	shalt  }

</sc_bundles>
